<compile_context>
chip_gen: v7x
topology: tpu7x:2x2x1
jax: 0.10.2.dev20260603
libtpu: 0.0.44.dev20260713+nightly
codegen_flags: <defaults>
</compile_context>

<pallas_src>
import functools
import jax
import jax.numpy as jnp
from jax import lax
from jax.experimental import pallas as pl
from jax.experimental.pallas import tpu as pltpu
from jax.experimental.pallas import tpu_sc as plsc

_B = 16
_N = 256
_NPAIR = _N * (_N - 1) // 2
_BETA = 0.001
_C_SP = 1.0 / (_B * _NPAIR)
_C_L2 = _BETA / (_B * _N)


_LP = (0.999301248473033, -0.4846351734405081, 0.2518741927516523,
       -0.07389876429467775)


def _softplus16(t):
    u = jnp.exp(-jnp.abs(t))
    p = _LP[3]
    p = p * u + _LP[2]
    p = p * u + _LP[1]
    p = p * u + _LP[0]
    return jnp.maximum(t, 0.0) + u * p


def _rmloss_worker(logits_hbm, out_hbm, x_ref, o_ref):
    cid = lax.axis_index("c")
    sid = lax.axis_index("s")
    wid = sid * 2 + cid
    seg = wid // 2
    par = wid % 2

    pltpu.sync_copy(logits_hbm.at[pl.ds(seg * _N, _N)], x_ref)

    iota = lax.iota(jnp.int32, 16)

    def blk_body(m, accs):
        blk = 2 * m + ((m % 2) ^ par)
        xrow = x_ref[pl.ds(blk * 16, 16)]
        xj = [lax.gather(
            xrow, jnp.full((16, 1), l, jnp.int32),
            dimension_numbers=lax.GatherDimensionNumbers(
                offset_dims=(), collapsed_slice_dims=(0,),
                start_index_map=(0,)),
            slice_sizes=(1,),
            mode=lax.GatherScatterMode.PROMISE_IN_BOUNDS) for l in range(16)]

        def col_body(ci, accs):
            xi = x_ref[pl.ds(ci * 16, 16)]
            accs = list(accs)
            for l in range(16):
                accs[l % 8] = accs[l % 8] + _softplus16(xj[l] - xi)
            return tuple(accs)

        accs = lax.fori_loop(0, blk, col_body, accs)
        accs = list(accs)
        for l in range(1, 16):
            accs[l % 8] = accs[l % 8] + jnp.where(
                iota < l, _softplus16(xj[l] - xrow), 0.0)
        return tuple(accs)

    zero = jnp.zeros((16,), jnp.float32)
    accs = lax.fori_loop(0, 8, blk_body, (zero,) * 8)
    a0 = (accs[0] + accs[1]) + (accs[2] + accs[3])
    a1 = (accs[4] + accs[5]) + (accs[6] + accs[7])
    acc = a0 + a1

    def sq_body(q, s):
        xv = x_ref[pl.ds(par * 128 + q * 16, 16)]
        return s + xv * xv

    sq = lax.fori_loop(0, 8, sq_body, jnp.zeros((16,), jnp.float32))

    o_ref[...] = acc * _C_SP + sq * _C_L2
    pltpu.sync_copy(o_ref, out_hbm.at[wid])


_rmloss_sc = functools.partial(
    pl.kernel,
    out_type=jax.ShapeDtypeStruct((32, 16), jnp.float32),
    mesh=plsc.VectorSubcoreMesh(core_axis_name="c", subcore_axis_name="s"),
    scratch_types=[
        pltpu.VMEM((_N,), jnp.float32),
        pltpu.VMEM((16,), jnp.float32),
    ],
)(_rmloss_worker)


def kernel(logits, cu_lengths):
    del cu_lengths
    out = _rmloss_sc(logits)
    return jnp.sum(out)

# --- scband reference (transcript-rebuilt; emitter-appended) ---
"""Pipeline reference for scband-rmloss-4346506903757 (READ-ONLY COPY).

The authoritative reference and input builder live on the scoring server;
editing this copy changes nothing except your own understanding.
"""

import jax, jax.numpy as jnp
import numpy as np


def setup_inputs(seed: int = 0) -> dict:
    key = jax.random.key(seed)
    total_tokens = 4096
    B = 16
    seg = total_tokens // B  # 256 candidates per prompt
    logits = jax.random.normal(key, (total_tokens,), dtype=jnp.float32)
    cu_lengths = jnp.arange(B + 1, dtype=jnp.int32) * seg  # [0, 256, 512, ..., 4096]
    return {"logits": logits, "cu_lengths": cu_lengths}


def reference(logits, cu_lengths):
    beta = 0.001
    B = cu_lengths.shape[0] - 1
    n = logits.shape[0] // B
    # torch.combinations(arange(n), 2) == upper-triangular (i<j) pairs in row-major order
    pos_ids, neg_ids = jnp.triu_indices(n, k=1)
    losses = []
    for b in range(B):
        start = cu_lengths[b]
        pos_logits = jnp.take(logits, start + pos_ids)
        neg_logits = jnp.take(logits, start + neg_ids)
        l2 = 0.5 * (pos_logits ** 2 + neg_logits ** 2)
        _loss = (-jax.nn.log_sigmoid(pos_logits - neg_logits) + beta * l2).mean()
        losses.append(_loss)
    loss = jnp.stack(losses)
    # reduction == 'mean'
    return loss.mean()

if __name__ == "__main__":
    import jax
    _d = setup_inputs()
    print(jax.jit(kernel)(*tuple(_d.values())))

</pallas_src>

<mosaic_0001>
#map = affine_map<(d0, d1) -> (0)>
#map1 = affine_map<(d0, d1) -> (0, 0)>
module attributes {stable_mosaic.version = 14 : i64} {
  func.func @_rmloss_worker(%arg0: i32, %arg1: i32, %arg2: memref<4096xf32, #tpu.memory_space<hbm>>, %arg3: memref<32x16xf32, #tpu.memory_space<hbm>>, %arg4: memref<256xf32, #tpu.memory_space<vmem>>, %arg5: memref<16xf32, #tpu.memory_space<vmem>>) attributes {dimension_semantics = [#tpu.dimension_semantics<core_parallel>, #tpu.dimension_semantics<subcore_parallel>], iteration_bounds = array<i64: 2, 16>, scalar_prefetch = 0 : i64, scratch_operands = 2 : i64, tpu.core_type = #tpu.core_type<sc_vector_subcore>, window_params = [{transform_indices = #map}, {transform_indices = #map1}]} {
    %mul3A = arith.constant 2 : i32
    %mul3A_0 = arith.muli %arg1, %mul3A : i32
    %add3A = arith.addi %mul3A_0, %arg0 : i32
    %jit3A = arith.constant 2 : i32
    %div3A = arith.divsi %add3A, %jit3A : i32
    %sign3A = arith.constant 0 : i32
    %sign3A_1 = arith.cmpi sgt, %add3A, %sign3A : i32
    %sign3A_2 = arith.extui %sign3A_1 : i1 to i32
    %sign3A_3 = arith.constant 0 : i32
    %sign3A_4 = arith.cmpi slt, %add3A, %sign3A_3 : i32
    %sign3A_5 = arith.extui %sign3A_4 : i1 to i32
    %sign3A_6 = arith.subi %sign3A_2, %sign3A_5 : i32
    %sign3A_7 = arith.constant 0 : i32
    %sign3A_8 = arith.cmpi sgt, %jit3A, %sign3A_7 : i32
    %sign3A_9 = arith.extui %sign3A_8 : i1 to i32
    %sign3A_10 = arith.constant 0 : i32
    %sign3A_11 = arith.cmpi slt, %jit3A, %sign3A_10 : i32
    %sign3A_12 = arith.extui %sign3A_11 : i1 to i32
    %sign3A_13 = arith.subi %sign3A_9, %sign3A_12 : i32
    %ne3A = arith.cmpi ne, %sign3A_6, %sign3A_13 : i32
    %rem3A = arith.remsi %add3A, %jit3A : i32
    %ne3A_14 = arith.constant 0 : i32
    %ne3A_15 = arith.cmpi ne, %rem3A, %ne3A_14 : i32
    %and3A = arith.andi %ne3A, %ne3A_15 : i1
    %sub3A = arith.constant 1 : i32
    %sub3A_16 = arith.subi %div3A, %sub3A : i32
    %select_n3A = arith.select %and3A, %sub3A_16, %div3A : i32
    %jit3A_17 = arith.constant 2 : i32
    %eq3A = arith.constant 0 : i32
    %eq3A_18 = arith.cmpi eq, %jit3A_17, %eq3A : i32
    %jit3A_19 = arith.constant 1 : i32
    %select_n3A_20 = arith.select %eq3A_18, %jit3A_19, %jit3A_17 : i32
    %rem3A_21 = arith.remsi %add3A, %select_n3A_20 : i32
    %ne3A_22 = arith.constant 0 : i32
    %ne3A_23 = arith.cmpi ne, %rem3A_21, %ne3A_22 : i32
    %lt3A = arith.constant 0 : i32
    %lt3A_24 = arith.cmpi slt, %rem3A_21, %lt3A : i32
    %lt3A_25 = arith.constant 0 : i32
    %lt3A_26 = arith.cmpi slt, %select_n3A_20, %lt3A_25 : i32
    %ne3A_27 = arith.xori %lt3A_24, %lt3A_26 : i1
    %and3A_28 = arith.andi %ne3A_27, %ne3A_23 : i1
    %add3A_29 = arith.addi %rem3A_21, %select_n3A_20 : i32
    %select_n3A_30 = arith.select %and3A_28, %add3A_29, %rem3A_21 : i32
    %mul3A_31 = arith.constant 256 : i32
    %mul3A_32 = arith.muli %select_n3A, %mul3A_31 : i32
    "tpu.region"() ({
      %run_scoped3A = tpu.sem_alloc : memref<!tpu.dma_semaphore, #tpu.memory_space<semaphore_mem>>
      %dma_start3A = tpu.memref_slice %arg2[%mul3A_32] : memref<4096xf32, #tpu.memory_space<hbm>> -> memref<256xf32, #tpu.memory_space<hbm>>
      %dma_start3A_64 = tpu.memref_slice %arg2[%mul3A_32] : memref<4096xf32, #tpu.memory_space<hbm>> -> memref<256xf32, #tpu.memory_space<hbm>>
      tpu.enqueue_dma source(%dma_start3A_64 : memref<256xf32, #tpu.memory_space<hbm>>) target(%arg4 : memref<256xf32, #tpu.memory_space<vmem>>) target_semaphore(%run_scoped3A : memref<!tpu.dma_semaphore, #tpu.memory_space<semaphore_mem>>)
      %dma_wait3A = tpu.memref_slice %arg2[%mul3A_32] : memref<4096xf32, #tpu.memory_space<hbm>> -> memref<256xf32, #tpu.memory_space<hbm>>
      %dma_wait3A_65 = tpu.memref_slice %arg2[%mul3A_32] : memref<4096xf32, #tpu.memory_space<hbm>> -> memref<256xf32, #tpu.memory_space<hbm>>
      tpu.wait_dma2 semaphore(%run_scoped3A : memref<!tpu.dma_semaphore, #tpu.memory_space<semaphore_mem>>) src(%dma_wait3A_65 : memref<256xf32, #tpu.memory_space<hbm>>) dst(%arg4 : memref<256xf32, #tpu.memory_space<vmem>>)
      tpu.yield
    }) : () -> ()
    %iota3A = tpu.iota {dimensions = array<i32: 0>} : vector<16xi32>
    %broadcast_in_dim3A = arith.constant 0.000000e+00 : f32
    %broadcast_in_dim3A_33 = vector.broadcast %broadcast_in_dim3A : f32 to vector<16xf32>
    %scan3A = arith.constant 0 : i32
    %scan3A_34 = arith.constant 8 : i32
    %scan3A_35 = arith.addi %scan3A, %scan3A_34 : i32
    %scan3A_36 = arith.constant 1 : i32
    %scan3A_37:8 = scf.for %scan3A_64 = %scan3A to %scan3A_35 step %scan3A_36 iter_args(%scan3A_65 = %broadcast_in_dim3A_33, %scan3A_66 = %broadcast_in_dim3A_33, %scan3A_67 = %broadcast_in_dim3A_33, %scan3A_68 = %broadcast_in_dim3A_33, %scan3A_69 = %broadcast_in_dim3A_33, %scan3A_70 = %broadcast_in_dim3A_33, %scan3A_71 = %broadcast_in_dim3A_33, %scan3A_72 = %broadcast_in_dim3A_33) -> (vector<16xf32>, vector<16xf32>, vector<16xf32>, vector<16xf32>, vector<16xf32>, vector<16xf32>, vector<16xf32>, vector<16xf32>)  : i32 {
      %mul3A_73 = arith.constant 2 : i32
      %mul3A_74 = arith.muli %mul3A_73, %scan3A_64 : i32
      %jit3A_75 = arith.constant 2 : i32
      %eq3A_76 = arith.constant 0 : i32
      %eq3A_77 = arith.cmpi eq, %jit3A_75, %eq3A_76 : i32
      %jit3A_78 = arith.constant 1 : i32
      %select_n3A_79 = arith.select %eq3A_77, %jit3A_78, %jit3A_75 : i32
      %rem3A_80 = arith.remsi %scan3A_64, %select_n3A_79 : i32
      %ne3A_81 = arith.constant 0 : i32
      %ne3A_82 = arith.cmpi ne, %rem3A_80, %ne3A_81 : i32
      %lt3A_83 = arith.constant 0 : i32
      %lt3A_84 = arith.cmpi slt, %rem3A_80, %lt3A_83 : i32
      %lt3A_85 = arith.constant 0 : i32
      %lt3A_86 = arith.cmpi slt, %select_n3A_79, %lt3A_85 : i32
      %ne3A_87 = arith.xori %lt3A_84, %lt3A_86 : i1
      %and3A_88 = arith.andi %ne3A_87, %ne3A_82 : i1
      %add3A_89 = arith.addi %rem3A_80, %select_n3A_79 : i32
      %select_n3A_90 = arith.select %and3A_88, %add3A_89, %rem3A_80 : i32
      %xor3A = arith.xori %select_n3A_90, %select_n3A_30 : i32
      %add3A_91 = arith.addi %mul3A_74, %xor3A : i32
      %mul3A_92 = arith.constant 16 : i32
      %mul3A_93 = arith.muli %add3A_91, %mul3A_92 : i32
      %get3A = arith.index_cast %mul3A_93 : i32 to index
      %get3A_94 = tpu.vector_load %arg4[%get3A] {strides = array<i32>} : memref<256xf32, #tpu.memory_space<vmem>>, vector<16xf32>,
      %get3A_95 = vector.shape_cast %get3A_94 : vector<16xf32> to vector<16xf32>
      %broadcast_in_dim3A_96 = arith.constant 0 : i32
      %broadcast_in_dim3A_97 = vector.broadcast %broadcast_in_dim3A_96 : i32 to vector<16x1xi32>
      %gather3A = vector.shape_cast %broadcast_in_dim3A_97 : vector<16x1xi32> to vector<16xi32>
      %gather3A_98 = tpu.dynamic_gather %get3A_95[%gather3A] in [0] : vector<16xf32>, vector<16xi32> -> vector<16xf32>
      %broadcast_in_dim3A_99 = arith.constant 1 : i32
      %broadcast_in_dim3A_100 = vector.broadcast %broadcast_in_dim3A_99 : i32 to vector<16x1xi32>
      %gather3A_101 = vector.shape_cast %broadcast_in_dim3A_100 : vector<16x1xi32> to vector<16xi32>
      %gather3A_102 = tpu.dynamic_gather %get3A_95[%gather3A_101] in [0] : vector<16xf32>, vector<16xi32> -> vector<16xf32>
      %broadcast_in_dim3A_103 = arith.constant 2 : i32
      %broadcast_in_dim3A_104 = vector.broadcast %broadcast_in_dim3A_103 : i32 to vector<16x1xi32>
      %gather3A_105 = vector.shape_cast %broadcast_in_dim3A_104 : vector<16x1xi32> to vector<16xi32>
      %gather3A_106 = tpu.dynamic_gather %get3A_95[%gather3A_105] in [0] : vector<16xf32>, vector<16xi32> -> vector<16xf32>
      %broadcast_in_dim3A_107 = arith.constant 3 : i32
      %broadcast_in_dim3A_108 = vector.broadcast %broadcast_in_dim3A_107 : i32 to vector<16x1xi32>
      %gather3A_109 = vector.shape_cast %broadcast_in_dim3A_108 : vector<16x1xi32> to vector<16xi32>
      %gather3A_110 = tpu.dynamic_gather %get3A_95[%gather3A_109] in [0] : vector<16xf32>, vector<16xi32> -> vector<16xf32>
      %broadcast_in_dim3A_111 = arith.constant 4 : i32
      %broadcast_in_dim3A_112 = vector.broadcast %broadcast_in_dim3A_111 : i32 to vector<16x1xi32>
      %gather3A_113 = vector.shape_cast %broadcast_in_dim3A_112 : vector<16x1xi32> to vector<16xi32>
      %gather3A_114 = tpu.dynamic_gather %get3A_95[%gather3A_113] in [0] : vector<16xf32>, vector<16xi32> -> vector<16xf32>
      %broadcast_in_dim3A_115 = arith.constant 5 : i32
      %broadcast_in_dim3A_116 = vector.broadcast %broadcast_in_dim3A_115 : i32 to vector<16x1xi32>
      %gather3A_117 = vector.shape_cast %broadcast_in_dim3A_116 : vector<16x1xi32> to vector<16xi32>
      %gather3A_118 = tpu.dynamic_gather %get3A_95[%gather3A_117] in [0] : vector<16xf32>, vector<16xi32> -> vector<16xf32>
      %broadcast_in_dim3A_119 = arith.constant 6 : i32
      %broadcast_in_dim3A_120 = vector.broadcast %broadcast_in_dim3A_119 : i32 to vector<16x1xi32>
      %gather3A_121 = vector.shape_cast %broadcast_in_dim3A_120 : vector<16x1xi32> to vector<16xi32>
      %gather3A_122 = tpu.dynamic_gather %get3A_95[%gather3A_121] in [0] : vector<16xf32>, vector<16xi32> -> vector<16xf32>
      %broadcast_in_dim3A_123 = arith.constant 7 : i32
      %broadcast_in_dim3A_124 = vector.broadcast %broadcast_in_dim3A_123 : i32 to vector<16x1xi32>
      %gather3A_125 = vector.shape_cast %broadcast_in_dim3A_124 : vector<16x1xi32> to vector<16xi32>
      %gather3A_126 = tpu.dynamic_gather %get3A_95[%gather3A_125] in [0] : vector<16xf32>, vector<16xi32> -> vector<16xf32>
      %broadcast_in_dim3A_127 = arith.constant 8 : i32
      %broadcast_in_dim3A_128 = vector.broadcast %broadcast_in_dim3A_127 : i32 to vector<16x1xi32>
      %gather3A_129 = vector.shape_cast %broadcast_in_dim3A_128 : vector<16x1xi32> to vector<16xi32>
      %gather3A_130 = tpu.dynamic_gather %get3A_95[%gather3A_129] in [0] : vector<16xf32>, vector<16xi32> -> vector<16xf32>
      %broadcast_in_dim3A_131 = arith.constant 9 : i32
      %broadcast_in_dim3A_132 = vector.broadcast %broadcast_in_dim3A_131 : i32 to vector<16x1xi32>
      %gather3A_133 = vector.shape_cast %broadcast_in_dim3A_132 : vector<16x1xi32> to vector<16xi32>
      %gather3A_134 = tpu.dynamic_gather %get3A_95[%gather3A_133] in [0] : vector<16xf32>, vector<16xi32> -> vector<16xf32>
      %broadcast_in_dim3A_135 = arith.constant 10 : i32
      %broadcast_in_dim3A_136 = vector.broadcast %broadcast_in_dim3A_135 : i32 to vector<16x1xi32>
      %gather3A_137 = vector.shape_cast %broadcast_in_dim3A_136 : vector<16x1xi32> to vector<16xi32>
      %gather3A_138 = tpu.dynamic_gather %get3A_95[%gather3A_137] in [0] : vector<16xf32>, vector<16xi32> -> vector<16xf32>
      %broadcast_in_dim3A_139 = arith.constant 11 : i32
      %broadcast_in_dim3A_140 = vector.broadcast %broadcast_in_dim3A_139 : i32 to vector<16x1xi32>
      %gather3A_141 = vector.shape_cast %broadcast_in_dim3A_140 : vector<16x1xi32> to vector<16xi32>
      %gather3A_142 = tpu.dynamic_gather %get3A_95[%gather3A_141] in [0] : vector<16xf32>, vector<16xi32> -> vector<16xf32>
      %broadcast_in_dim3A_143 = arith.constant 12 : i32
      %broadcast_in_dim3A_144 = vector.broadcast %broadcast_in_dim3A_143 : i32 to vector<16x1xi32>
      %gather3A_145 = vector.shape_cast %broadcast_in_dim3A_144 : vector<16x1xi32> to vector<16xi32>
      %gather3A_146 = tpu.dynamic_gather %get3A_95[%gather3A_145] in [0] : vector<16xf32>, vector<16xi32> -> vector<16xf32>
      %broadcast_in_dim3A_147 = arith.constant 13 : i32
      %broadcast_in_dim3A_148 = vector.broadcast %broadcast_in_dim3A_147 : i32 to vector<16x1xi32>
      %gather3A_149 = vector.shape_cast %broadcast_in_dim3A_148 : vector<16x1xi32> to vector<16xi32>
      %gather3A_150 = tpu.dynamic_gather %get3A_95[%gather3A_149] in [0] : vector<16xf32>, vector<16xi32> -> vector<16xf32>
      %broadcast_in_dim3A_151 = arith.constant 14 : i32
      %broadcast_in_dim3A_152 = vector.broadcast %broadcast_in_dim3A_151 : i32 to vector<16x1xi32>
      %gather3A_153 = vector.shape_cast %broadcast_in_dim3A_152 : vector<16x1xi32> to vector<16xi32>
      %gather3A_154 = tpu.dynamic_gather %get3A_95[%gather3A_153] in [0] : vector<16xf32>, vector<16xi32> -> vector<16xf32>
      %broadcast_in_dim3A_155 = arith.constant 15 : i32
      %broadcast_in_dim3A_156 = vector.broadcast %broadcast_in_dim3A_155 : i32 to vector<16x1xi32>
      %gather3A_157 = vector.shape_cast %broadcast_in_dim3A_156 : vector<16x1xi32> to vector<16xi32>
      %gather3A_158 = tpu.dynamic_gather %get3A_95[%gather3A_157] in [0] : vector<16xf32>, vector<16xi32> -> vector<16xf32>
      %while3A = arith.constant 0 : i32
      %while3A_159 = arith.subi %add3A_91, %while3A : i32
      %while3A_160 = arith.addi %while3A, %while3A_159 : i32
      %while3A_161 = arith.constant 1 : i32
      %while3A_162 = arith.divsi %while3A_159, %while3A_161 : i32
      %while3A_163 = arith.muli %while3A_162, %while3A_161 : i32
      %while3A_164 = arith.addi %while3A, %while3A_163 : i32
      %while3A_165 = arith.constant 1 : i32
      %while3A_166:8 = scf.for %while3A_645 = %while3A to %while3A_164 step %while3A_165 iter_args(%while3A_646 = %scan3A_65, %while3A_647 = %scan3A_66, %while3A_648 = %scan3A_67, %while3A_649 = %scan3A_68, %while3A_650 = %scan3A_69, %while3A_651 = %scan3A_70, %while3A_652 = %scan3A_71, %while3A_653 = %scan3A_72) -> (vector<16xf32>, vector<16xf32>, vector<16xf32>, vector<16xf32>, vector<16xf32>, vector<16xf32>, vector<16xf32>, vector<16xf32>)  : i32 {
        %mul3A_654 = arith.constant 16 : i32
        %mul3A_655 = arith.muli %while3A_645, %mul3A_654 : i32
        %get3A_656 = arith.index_cast %mul3A_655 : i32 to index
        %get3A_657 = tpu.vector_load %arg4[%get3A_656] {strides = array<i32>} : memref<256xf32, #tpu.memory_space<vmem>>, vector<16xf32>,
        %get3A_658 = vector.shape_cast %get3A_657 : vector<16xf32> to vector<16xf32>
        %sub3A_659 = arith.subf %gather3A_98, %get3A_658 : vector<16xf32>
        %abs3A_660 = math.absf %sub3A_659 : vector<16xf32>
        %neg3A_661 = arith.constant 0.000000e+00 : f32
        %neg3A_662 = vector.broadcast %neg3A_661 : f32 to vector<16xf32>
        %neg3A_663 = arith.subf %neg3A_662, %abs3A_660 : vector<16xf32>
        %exp3A_664 = math.exp %neg3A_663 : vector<16xf32>
        %mul3A_665 = arith.constant -0.0738987624 : f32
        %mul3A_666 = vector.broadcast %mul3A_665 : f32 to vector<16xf32>
        %mul3A_667 = arith.mulf %mul3A_666, %exp3A_664 : vector<16xf32>
        %add3A_668 = arith.constant 0.251874179 : f32
        %add3A_669 = vector.broadcast %add3A_668 : f32 to vector<16xf32>
        %add3A_670 = arith.addf %mul3A_667, %add3A_669 : vector<16xf32>
        %mul3A_671 = arith.mulf %add3A_670, %exp3A_664 : vector<16xf32>
        %add3A_672 = arith.constant -0.484635174 : f32
        %add3A_673 = vector.broadcast %add3A_672 : f32 to vector<16xf32>
        %add3A_674 = arith.addf %mul3A_671, %add3A_673 : vector<16xf32>
        %mul3A_675 = arith.mulf %add3A_674, %exp3A_664 : vector<16xf32>
        %add3A_676 = arith.constant 0.999301254 : f32
        %add3A_677 = vector.broadcast %add3A_676 : f32 to vector<16xf32>
        %add3A_678 = arith.addf %mul3A_675, %add3A_677 : vector<16xf32>
        %max3A_679 = arith.constant 0.000000e+00 : f32
        %max3A_680 = vector.broadcast %max3A_679 : f32 to vector<16xf32>
        %max3A_681 = arith.maximumf %sub3A_659, %max3A_680 : vector<16xf32>
        %mul3A_682 = arith.mulf %exp3A_664, %add3A_678 : vector<16xf32>
        %add3A_683 = arith.addf %max3A_681, %mul3A_682 : vector<16xf32>
        %add3A_684 = arith.addf %while3A_646, %add3A_683 : vector<16xf32>
        %sub3A_685 = arith.subf %gather3A_102, %get3A_658 : vector<16xf32>
        %abs3A_686 = math.absf %sub3A_685 : vector<16xf32>
        %neg3A_687 = arith.constant 0.000000e+00 : f32
        %neg3A_688 = vector.broadcast %neg3A_687 : f32 to vector<16xf32>
        %neg3A_689 = arith.subf %neg3A_688, %abs3A_686 : vector<16xf32>
        %exp3A_690 = math.exp %neg3A_689 : vector<16xf32>
        %mul3A_691 = arith.constant -0.0738987624 : f32
        %mul3A_692 = vector.broadcast %mul3A_691 : f32 to vector<16xf32>
        %mul3A_693 = arith.mulf %mul3A_692, %exp3A_690 : vector<16xf32>
        %add3A_694 = arith.constant 0.251874179 : f32
        %add3A_695 = vector.broadcast %add3A_694 : f32 to vector<16xf32>
        %add3A_696 = arith.addf %mul3A_693, %add3A_695 : vector<16xf32>
        %mul3A_697 = arith.mulf %add3A_696, %exp3A_690 : vector<16xf32>
        %add3A_698 = arith.constant -0.484635174 : f32
        %add3A_699 = vector.broadcast %add3A_698 : f32 to vector<16xf32>
        %add3A_700 = arith.addf %mul3A_697, %add3A_699 : vector<16xf32>
        %mul3A_701 = arith.mulf %add3A_700, %exp3A_690 : vector<16xf32>
        %add3A_702 = arith.constant 0.999301254 : f32
        %add3A_703 = vector.broadcast %add3A_702 : f32 to vector<16xf32>
        %add3A_704 = arith.addf %mul3A_701, %add3A_703 : vector<16xf32>
        %max3A_705 = arith.constant 0.000000e+00 : f32
        %max3A_706 = vector.broadcast %max3A_705 : f32 to vector<16xf32>
        %max3A_707 = arith.maximumf %sub3A_685, %max3A_706 : vector<16xf32>
        %mul3A_708 = arith.mulf %exp3A_690, %add3A_704 : vector<16xf32>
        %add3A_709 = arith.addf %max3A_707, %mul3A_708 : vector<16xf32>
        %add3A_710 = arith.addf %while3A_647, %add3A_709 : vector<16xf32>
        %sub3A_711 = arith.subf %gather3A_106, %get3A_658 : vector<16xf32>
        %abs3A_712 = math.absf %sub3A_711 : vector<16xf32>
        %neg3A_713 = arith.constant 0.000000e+00 : f32
        %neg3A_714 = vector.broadcast %neg3A_713 : f32 to vector<16xf32>
        %neg3A_715 = arith.subf %neg3A_714, %abs3A_712 : vector<16xf32>
        %exp3A_716 = math.exp %neg3A_715 : vector<16xf32>
        %mul3A_717 = arith.constant -0.0738987624 : f32
        %mul3A_718 = vector.broadcast %mul3A_717 : f32 to vector<16xf32>
        %mul3A_719 = arith.mulf %mul3A_718, %exp3A_716 : vector<16xf32>
        %add3A_720 = arith.constant 0.251874179 : f32
        %add3A_721 = vector.broadcast %add3A_720 : f32 to vector<16xf32>
        %add3A_722 = arith.addf %mul3A_719, %add3A_721 : vector<16xf32>
        %mul3A_723 = arith.mulf %add3A_722, %exp3A_716 : vector<16xf32>
        %add3A_724 = arith.constant -0.484635174 : f32
        %add3A_725 = vector.broadcast %add3A_724 : f32 to vector<16xf32>
        %add3A_726 = arith.addf %mul3A_723, %add3A_725 : vector<16xf32>
        %mul3A_727 = arith.mulf %add3A_726, %exp3A_716 : vector<16xf32>
        %add3A_728 = arith.constant 0.999301254 : f32
        %add3A_729 = vector.broadcast %add3A_728 : f32 to vector<16xf32>
        %add3A_730 = arith.addf %mul3A_727, %add3A_729 : vector<16xf32>
        %max3A_731 = arith.constant 0.000000e+00 : f32
        %max3A_732 = vector.broadcast %max3A_731 : f32 to vector<16xf32>
        %max3A_733 = arith.maximumf %sub3A_711, %max3A_732 : vector<16xf32>
        %mul3A_734 = arith.mulf %exp3A_716, %add3A_730 : vector<16xf32>
        %add3A_735 = arith.addf %max3A_733, %mul3A_734 : vector<16xf32>
        %add3A_736 = arith.addf %while3A_648, %add3A_735 : vector<16xf32>
        %sub3A_737 = arith.subf %gather3A_110, %get3A_658 : vector<16xf32>
        %abs3A_738 = math.absf %sub3A_737 : vector<16xf32>
        %neg3A_739 = arith.constant 0.000000e+00 : f32
        %neg3A_740 = vector.broadcast %neg3A_739 : f32 to vector<16xf32>
        %neg3A_741 = arith.subf %neg3A_740, %abs3A_738 : vector<16xf32>
        %exp3A_742 = math.exp %neg3A_741 : vector<16xf32>
        %mul3A_743 = arith.constant -0.0738987624 : f32
        %mul3A_744 = vector.broadcast %mul3A_743 : f32 to vector<16xf32>
        %mul3A_745 = arith.mulf %mul3A_744, %exp3A_742 : vector<16xf32>
        %add3A_746 = arith.constant 0.251874179 : f32
        %add3A_747 = vector.broadcast %add3A_746 : f32 to vector<16xf32>
        %add3A_748 = arith.addf %mul3A_745, %add3A_747 : vector<16xf32>
        %mul3A_749 = arith.mulf %add3A_748, %exp3A_742 : vector<16xf32>
        %add3A_750 = arith.constant -0.484635174 : f32
        %add3A_751 = vector.broadcast %add3A_750 : f32 to vector<16xf32>
        %add3A_752 = arith.addf %mul3A_749, %add3A_751 : vector<16xf32>
        %mul3A_753 = arith.mulf %add3A_752, %exp3A_742 : vector<16xf32>
        %add3A_754 = arith.constant 0.999301254 : f32
        %add3A_755 = vector.broadcast %add3A_754 : f32 to vector<16xf32>
        %add3A_756 = arith.addf %mul3A_753, %add3A_755 : vector<16xf32>
        %max3A_757 = arith.constant 0.000000e+00 : f32
        %max3A_758 = vector.broadcast %max3A_757 : f32 to vector<16xf32>
        %max3A_759 = arith.maximumf %sub3A_737, %max3A_758 : vector<16xf32>
        %mul3A_760 = arith.mulf %exp3A_742, %add3A_756 : vector<16xf32>
        %add3A_761 = arith.addf %max3A_759, %mul3A_760 : vector<16xf32>
        %add3A_762 = arith.addf %while3A_649, %add3A_761 : vector<16xf32>
        %sub3A_763 = arith.subf %gather3A_114, %get3A_658 : vector<16xf32>
        %abs3A_764 = math.absf %sub3A_763 : vector<16xf32>
        %neg3A_765 = arith.constant 0.000000e+00 : f32
        %neg3A_766 = vector.broadcast %neg3A_765 : f32 to vector<16xf32>
        %neg3A_767 = arith.subf %neg3A_766, %abs3A_764 : vector<16xf32>
        %exp3A_768 = math.exp %neg3A_767 : vector<16xf32>
        %mul3A_769 = arith.constant -0.0738987624 : f32
        %mul3A_770 = vector.broadcast %mul3A_769 : f32 to vector<16xf32>
        %mul3A_771 = arith.mulf %mul3A_770, %exp3A_768 : vector<16xf32>
        %add3A_772 = arith.constant 0.251874179 : f32
        %add3A_773 = vector.broadcast %add3A_772 : f32 to vector<16xf32>
        %add3A_774 = arith.addf %mul3A_771, %add3A_773 : vector<16xf32>
        %mul3A_775 = arith.mulf %add3A_774, %exp3A_768 : vector<16xf32>
        %add3A_776 = arith.constant -0.484635174 : f32
        %add3A_777 = vector.broadcast %add3A_776 : f32 to vector<16xf32>
        %add3A_778 = arith.addf %mul3A_775, %add3A_777 : vector<16xf32>
        %mul3A_779 = arith.mulf %add3A_778, %exp3A_768 : vector<16xf32>
        %add3A_780 = arith.constant 0.999301254 : f32
        %add3A_781 = vector.broadcast %add3A_780 : f32 to vector<16xf32>
        %add3A_782 = arith.addf %mul3A_779, %add3A_781 : vector<16xf32>
        %max3A_783 = arith.constant 0.000000e+00 : f32
        %max3A_784 = vector.broadcast %max3A_783 : f32 to vector<16xf32>
        %max3A_785 = arith.maximumf %sub3A_763, %max3A_784 : vector<16xf32>
        %mul3A_786 = arith.mulf %exp3A_768, %add3A_782 : vector<16xf32>
        %add3A_787 = arith.addf %max3A_785, %mul3A_786 : vector<16xf32>
        %add3A_788 = arith.addf %while3A_650, %add3A_787 : vector<16xf32>
        %sub3A_789 = arith.subf %gather3A_118, %get3A_658 : vector<16xf32>
        %abs3A_790 = math.absf %sub3A_789 : vector<16xf32>
        %neg3A_791 = arith.constant 0.000000e+00 : f32
        %neg3A_792 = vector.broadcast %neg3A_791 : f32 to vector<16xf32>
        %neg3A_793 = arith.subf %neg3A_792, %abs3A_790 : vector<16xf32>
        %exp3A_794 = math.exp %neg3A_793 : vector<16xf32>
        %mul3A_795 = arith.constant -0.0738987624 : f32
        %mul3A_796 = vector.broadcast %mul3A_795 : f32 to vector<16xf32>
        %mul3A_797 = arith.mulf %mul3A_796, %exp3A_794 : vector<16xf32>
        %add3A_798 = arith.constant 0.251874179 : f32
        %add3A_799 = vector.broadcast %add3A_798 : f32 to vector<16xf32>
        %add3A_800 = arith.addf %mul3A_797, %add3A_799 : vector<16xf32>
        %mul3A_801 = arith.mulf %add3A_800, %exp3A_794 : vector<16xf32>
        %add3A_802 = arith.constant -0.484635174 : f32
        %add3A_803 = vector.broadcast %add3A_802 : f32 to vector<16xf32>
        %add3A_804 = arith.addf %mul3A_801, %add3A_803 : vector<16xf32>
        %mul3A_805 = arith.mulf %add3A_804, %exp3A_794 : vector<16xf32>
        %add3A_806 = arith.constant 0.999301254 : f32
        %add3A_807 = vector.broadcast %add3A_806 : f32 to vector<16xf32>
        %add3A_808 = arith.addf %mul3A_805, %add3A_807 : vector<16xf32>
        %max3A_809 = arith.constant 0.000000e+00 : f32
        %max3A_810 = vector.broadcast %max3A_809 : f32 to vector<16xf32>
        %max3A_811 = arith.maximumf %sub3A_789, %max3A_810 : vector<16xf32>
        %mul3A_812 = arith.mulf %exp3A_794, %add3A_808 : vector<16xf32>
        %add3A_813 = arith.addf %max3A_811, %mul3A_812 : vector<16xf32>
        %add3A_814 = arith.addf %while3A_651, %add3A_813 : vector<16xf32>
        %sub3A_815 = arith.subf %gather3A_122, %get3A_658 : vector<16xf32>
        %abs3A_816 = math.absf %sub3A_815 : vector<16xf32>
        %neg3A_817 = arith.constant 0.000000e+00 : f32
        %neg3A_818 = vector.broadcast %neg3A_817 : f32 to vector<16xf32>
        %neg3A_819 = arith.subf %neg3A_818, %abs3A_816 : vector<16xf32>
        %exp3A_820 = math.exp %neg3A_819 : vector<16xf32>
        %mul3A_821 = arith.constant -0.0738987624 : f32
        %mul3A_822 = vector.broadcast %mul3A_821 : f32 to vector<16xf32>
        %mul3A_823 = arith.mulf %mul3A_822, %exp3A_820 : vector<16xf32>
        %add3A_824 = arith.constant 0.251874179 : f32
        %add3A_825 = vector.broadcast %add3A_824 : f32 to vector<16xf32>
        %add3A_826 = arith.addf %mul3A_823, %add3A_825 : vector<16xf32>
        %mul3A_827 = arith.mulf %add3A_826, %exp3A_820 : vector<16xf32>
        %add3A_828 = arith.constant -0.484635174 : f32
        %add3A_829 = vector.broadcast %add3A_828 : f32 to vector<16xf32>
        %add3A_830 = arith.addf %mul3A_827, %add3A_829 : vector<16xf32>
        %mul3A_831 = arith.mulf %add3A_830, %exp3A_820 : vector<16xf32>
        %add3A_832 = arith.constant 0.999301254 : f32
        %add3A_833 = vector.broadcast %add3A_832 : f32 to vector<16xf32>
        %add3A_834 = arith.addf %mul3A_831, %add3A_833 : vector<16xf32>
        %max3A_835 = arith.constant 0.000000e+00 : f32
        %max3A_836 = vector.broadcast %max3A_835 : f32 to vector<16xf32>
        %max3A_837 = arith.maximumf %sub3A_815, %max3A_836 : vector<16xf32>
        %mul3A_838 = arith.mulf %exp3A_820, %add3A_834 : vector<16xf32>
        %add3A_839 = arith.addf %max3A_837, %mul3A_838 : vector<16xf32>
        %add3A_840 = arith.addf %while3A_652, %add3A_839 : vector<16xf32>
        %sub3A_841 = arith.subf %gather3A_126, %get3A_658 : vector<16xf32>
        %abs3A_842 = math.absf %sub3A_841 : vector<16xf32>
        %neg3A_843 = arith.constant 0.000000e+00 : f32
        %neg3A_844 = vector.broadcast %neg3A_843 : f32 to vector<16xf32>
        %neg3A_845 = arith.subf %neg3A_844, %abs3A_842 : vector<16xf32>
        %exp3A_846 = math.exp %neg3A_845 : vector<16xf32>
        %mul3A_847 = arith.constant -0.0738987624 : f32
        %mul3A_848 = vector.broadcast %mul3A_847 : f32 to vector<16xf32>
        %mul3A_849 = arith.mulf %mul3A_848, %exp3A_846 : vector<16xf32>
        %add3A_850 = arith.constant 0.251874179 : f32
        %add3A_851 = vector.broadcast %add3A_850 : f32 to vector<16xf32>
        %add3A_852 = arith.addf %mul3A_849, %add3A_851 : vector<16xf32>
        %mul3A_853 = arith.mulf %add3A_852, %exp3A_846 : vector<16xf32>
        %add3A_854 = arith.constant -0.484635174 : f32
        %add3A_855 = vector.broadcast %add3A_854 : f32 to vector<16xf32>
        %add3A_856 = arith.addf %mul3A_853, %add3A_855 : vector<16xf32>
        %mul3A_857 = arith.mulf %add3A_856, %exp3A_846 : vector<16xf32>
        %add3A_858 = arith.constant 0.999301254 : f32
        %add3A_859 = vector.broadcast %add3A_858 : f32 to vector<16xf32>
        %add3A_860 = arith.addf %mul3A_857, %add3A_859 : vector<16xf32>
        %max3A_861 = arith.constant 0.000000e+00 : f32
        %max3A_862 = vector.broadcast %max3A_861 : f32 to vector<16xf32>
        %max3A_863 = arith.maximumf %sub3A_841, %max3A_862 : vector<16xf32>
        %mul3A_864 = arith.mulf %exp3A_846, %add3A_860 : vector<16xf32>
        %add3A_865 = arith.addf %max3A_863, %mul3A_864 : vector<16xf32>
        %add3A_866 = arith.addf %while3A_653, %add3A_865 : vector<16xf32>
        %sub3A_867 = arith.subf %gather3A_130, %get3A_658 : vector<16xf32>
        %abs3A_868 = math.absf %sub3A_867 : vector<16xf32>
        %neg3A_869 = arith.constant 0.000000e+00 : f32
        %neg3A_870 = vector.broadcast %neg3A_869 : f32 to vector<16xf32>
        %neg3A_871 = arith.subf %neg3A_870, %abs3A_868 : vector<16xf32>
        %exp3A_872 = math.exp %neg3A_871 : vector<16xf32>
        %mul3A_873 = arith.constant -0.0738987624 : f32
        %mul3A_874 = vector.broadcast %mul3A_873 : f32 to vector<16xf32>
        %mul3A_875 = arith.mulf %mul3A_874, %exp3A_872 : vector<16xf32>
        %add3A_876 = arith.constant 0.251874179 : f32
        %add3A_877 = vector.broadcast %add3A_876 : f32 to vector<16xf32>
        %add3A_878 = arith.addf %mul3A_875, %add3A_877 : vector<16xf32>
        %mul3A_879 = arith.mulf %add3A_878, %exp3A_872 : vector<16xf32>
        %add3A_880 = arith.constant -0.484635174 : f32
        %add3A_881 = vector.broadcast %add3A_880 : f32 to vector<16xf32>
        %add3A_882 = arith.addf %mul3A_879, %add3A_881 : vector<16xf32>
        %mul3A_883 = arith.mulf %add3A_882, %exp3A_872 : vector<16xf32>
        %add3A_884 = arith.constant 0.999301254 : f32
        %add3A_885 = vector.broadcast %add3A_884 : f32 to vector<16xf32>
        %add3A_886 = arith.addf %mul3A_883, %add3A_885 : vector<16xf32>
        %max3A_887 = arith.constant 0.000000e+00 : f32
        %max3A_888 = vector.broadcast %max3A_887 : f32 to vector<16xf32>
        %max3A_889 = arith.maximumf %sub3A_867, %max3A_888 : vector<16xf32>
        %mul3A_890 = arith.mulf %exp3A_872, %add3A_886 : vector<16xf32>
        %add3A_891 = arith.addf %max3A_889, %mul3A_890 : vector<16xf32>
        %add3A_892 = arith.addf %add3A_684, %add3A_891 : vector<16xf32>
        %sub3A_893 = arith.subf %gather3A_134, %get3A_658 : vector<16xf32>
        %abs3A_894 = math.absf %sub3A_893 : vector<16xf32>
        %neg3A_895 = arith.constant 0.000000e+00 : f32
        %neg3A_896 = vector.broadcast %neg3A_895 : f32 to vector<16xf32>
        %neg3A_897 = arith.subf %neg3A_896, %abs3A_894 : vector<16xf32>
        %exp3A_898 = math.exp %neg3A_897 : vector<16xf32>
        %mul3A_899 = arith.constant -0.0738987624 : f32
        %mul3A_900 = vector.broadcast %mul3A_899 : f32 to vector<16xf32>
        %mul3A_901 = arith.mulf %mul3A_900, %exp3A_898 : vector<16xf32>
        %add3A_902 = arith.constant 0.251874179 : f32
        %add3A_903 = vector.broadcast %add3A_902 : f32 to vector<16xf32>
        %add3A_904 = arith.addf %mul3A_901, %add3A_903 : vector<16xf32>
        %mul3A_905 = arith.mulf %add3A_904, %exp3A_898 : vector<16xf32>
        %add3A_906 = arith.constant -0.484635174 : f32
        %add3A_907 = vector.broadcast %add3A_906 : f32 to vector<16xf32>
        %add3A_908 = arith.addf %mul3A_905, %add3A_907 : vector<16xf32>
        %mul3A_909 = arith.mulf %add3A_908, %exp3A_898 : vector<16xf32>
        %add3A_910 = arith.constant 0.999301254 : f32
        %add3A_911 = vector.broadcast %add3A_910 : f32 to vector<16xf32>
        %add3A_912 = arith.addf %mul3A_909, %add3A_911 : vector<16xf32>
        %max3A_913 = arith.constant 0.000000e+00 : f32
        %max3A_914 = vector.broadcast %max3A_913 : f32 to vector<16xf32>
        %max3A_915 = arith.maximumf %sub3A_893, %max3A_914 : vector<16xf32>
        %mul3A_916 = arith.mulf %exp3A_898, %add3A_912 : vector<16xf32>
        %add3A_917 = arith.addf %max3A_915, %mul3A_916 : vector<16xf32>
        %add3A_918 = arith.addf %add3A_710, %add3A_917 : vector<16xf32>
        %sub3A_919 = arith.subf %gather3A_138, %get3A_658 : vector<16xf32>
        %abs3A_920 = math.absf %sub3A_919 : vector<16xf32>
        %neg3A_921 = arith.constant 0.000000e+00 : f32
        %neg3A_922 = vector.broadcast %neg3A_921 : f32 to vector<16xf32>
        %neg3A_923 = arith.subf %neg3A_922, %abs3A_920 : vector<16xf32>
        %exp3A_924 = math.exp %neg3A_923 : vector<16xf32>
        %mul3A_925 = arith.constant -0.0738987624 : f32
        %mul3A_926 = vector.broadcast %mul3A_925 : f32 to vector<16xf32>
        %mul3A_927 = arith.mulf %mul3A_926, %exp3A_924 : vector<16xf32>
        %add3A_928 = arith.constant 0.251874179 : f32
        %add3A_929 = vector.broadcast %add3A_928 : f32 to vector<16xf32>
        %add3A_930 = arith.addf %mul3A_927, %add3A_929 : vector<16xf32>
        %mul3A_931 = arith.mulf %add3A_930, %exp3A_924 : vector<16xf32>
        %add3A_932 = arith.constant -0.484635174 : f32
        %add3A_933 = vector.broadcast %add3A_932 : f32 to vector<16xf32>
        %add3A_934 = arith.addf %mul3A_931, %add3A_933 : vector<16xf32>
        %mul3A_935 = arith.mulf %add3A_934, %exp3A_924 : vector<16xf32>
        %add3A_936 = arith.constant 0.999301254 : f32
        %add3A_937 = vector.broadcast %add3A_936 : f32 to vector<16xf32>
        %add3A_938 = arith.addf %mul3A_935, %add3A_937 : vector<16xf32>
        %max3A_939 = arith.constant 0.000000e+00 : f32
        %max3A_940 = vector.broadcast %max3A_939 : f32 to vector<16xf32>
        %max3A_941 = arith.maximumf %sub3A_919, %max3A_940 : vector<16xf32>
        %mul3A_942 = arith.mulf %exp3A_924, %add3A_938 : vector<16xf32>
        %add3A_943 = arith.addf %max3A_941, %mul3A_942 : vector<16xf32>
        %add3A_944 = arith.addf %add3A_736, %add3A_943 : vector<16xf32>
        %sub3A_945 = arith.subf %gather3A_142, %get3A_658 : vector<16xf32>
        %abs3A_946 = math.absf %sub3A_945 : vector<16xf32>
        %neg3A_947 = arith.constant 0.000000e+00 : f32
        %neg3A_948 = vector.broadcast %neg3A_947 : f32 to vector<16xf32>
        %neg3A_949 = arith.subf %neg3A_948, %abs3A_946 : vector<16xf32>
        %exp3A_950 = math.exp %neg3A_949 : vector<16xf32>
        %mul3A_951 = arith.constant -0.0738987624 : f32
        %mul3A_952 = vector.broadcast %mul3A_951 : f32 to vector<16xf32>
        %mul3A_953 = arith.mulf %mul3A_952, %exp3A_950 : vector<16xf32>
        %add3A_954 = arith.constant 0.251874179 : f32
        %add3A_955 = vector.broadcast %add3A_954 : f32 to vector<16xf32>
        %add3A_956 = arith.addf %mul3A_953, %add3A_955 : vector<16xf32>
        %mul3A_957 = arith.mulf %add3A_956, %exp3A_950 : vector<16xf32>
        %add3A_958 = arith.constant -0.484635174 : f32
        %add3A_959 = vector.broadcast %add3A_958 : f32 to vector<16xf32>
        %add3A_960 = arith.addf %mul3A_957, %add3A_959 : vector<16xf32>
        %mul3A_961 = arith.mulf %add3A_960, %exp3A_950 : vector<16xf32>
        %add3A_962 = arith.constant 0.999301254 : f32
        %add3A_963 = vector.broadcast %add3A_962 : f32 to vector<16xf32>
        %add3A_964 = arith.addf %mul3A_961, %add3A_963 : vector<16xf32>
        %max3A_965 = arith.constant 0.000000e+00 : f32
        %max3A_966 = vector.broadcast %max3A_965 : f32 to vector<16xf32>
        %max3A_967 = arith.maximumf %sub3A_945, %max3A_966 : vector<16xf32>
        %mul3A_968 = arith.mulf %exp3A_950, %add3A_964 : vector<16xf32>
        %add3A_969 = arith.addf %max3A_967, %mul3A_968 : vector<16xf32>
        %add3A_970 = arith.addf %add3A_762, %add3A_969 : vector<16xf32>
        %sub3A_971 = arith.subf %gather3A_146, %get3A_658 : vector<16xf32>
        %abs3A_972 = math.absf %sub3A_971 : vector<16xf32>
        %neg3A_973 = arith.constant 0.000000e+00 : f32
        %neg3A_974 = vector.broadcast %neg3A_973 : f32 to vector<16xf32>
        %neg3A_975 = arith.subf %neg3A_974, %abs3A_972 : vector<16xf32>
        %exp3A_976 = math.exp %neg3A_975 : vector<16xf32>
        %mul3A_977 = arith.constant -0.0738987624 : f32
        %mul3A_978 = vector.broadcast %mul3A_977 : f32 to vector<16xf32>
        %mul3A_979 = arith.mulf %mul3A_978, %exp3A_976 : vector<16xf32>
        %add3A_980 = arith.constant 0.251874179 : f32
        %add3A_981 = vector.broadcast %add3A_980 : f32 to vector<16xf32>
        %add3A_982 = arith.addf %mul3A_979, %add3A_981 : vector<16xf32>
        %mul3A_983 = arith.mulf %add3A_982, %exp3A_976 : vector<16xf32>
        %add3A_984 = arith.constant -0.484635174 : f32
        %add3A_985 = vector.broadcast %add3A_984 : f32 to vector<16xf32>
        %add3A_986 = arith.addf %mul3A_983, %add3A_985 : vector<16xf32>
        %mul3A_987 = arith.mulf %add3A_986, %exp3A_976 : vector<16xf32>
        %add3A_988 = arith.constant 0.999301254 : f32
        %add3A_989 = vector.broadcast %add3A_988 : f32 to vector<16xf32>
        %add3A_990 = arith.addf %mul3A_987, %add3A_989 : vector<16xf32>
        %max3A_991 = arith.constant 0.000000e+00 : f32
        %max3A_992 = vector.broadcast %max3A_991 : f32 to vector<16xf32>
        %max3A_993 = arith.maximumf %sub3A_971, %max3A_992 : vector<16xf32>
        %mul3A_994 = arith.mulf %exp3A_976, %add3A_990 : vector<16xf32>
        %add3A_995 = arith.addf %max3A_993, %mul3A_994 : vector<16xf32>
        %add3A_996 = arith.addf %add3A_788, %add3A_995 : vector<16xf32>
        %sub3A_997 = arith.subf %gather3A_150, %get3A_658 : vector<16xf32>
        %abs3A_998 = math.absf %sub3A_997 : vector<16xf32>
        %neg3A_999 = arith.constant 0.000000e+00 : f32
        %neg3A_1000 = vector.broadcast %neg3A_999 : f32 to vector<16xf32>
        %neg3A_1001 = arith.subf %neg3A_1000, %abs3A_998 : vector<16xf32>
        %exp3A_1002 = math.exp %neg3A_1001 : vector<16xf32>
        %mul3A_1003 = arith.constant -0.0738987624 : f32
        %mul3A_1004 = vector.broadcast %mul3A_1003 : f32 to vector<16xf32>
        %mul3A_1005 = arith.mulf %mul3A_1004, %exp3A_1002 : vector<16xf32>
        %add3A_1006 = arith.constant 0.251874179 : f32
        %add3A_1007 = vector.broadcast %add3A_1006 : f32 to vector<16xf32>
        %add3A_1008 = arith.addf %mul3A_1005, %add3A_1007 : vector<16xf32>
        %mul3A_1009 = arith.mulf %add3A_1008, %exp3A_1002 : vector<16xf32>
        %add3A_1010 = arith.constant -0.484635174 : f32
        %add3A_1011 = vector.broadcast %add3A_1010 : f32 to vector<16xf32>
        %add3A_1012 = arith.addf %mul3A_1009, %add3A_1011 : vector<16xf32>
        %mul3A_1013 = arith.mulf %add3A_1012, %exp3A_1002 : vector<16xf32>
        %add3A_1014 = arith.constant 0.999301254 : f32
        %add3A_1015 = vector.broadcast %add3A_1014 : f32 to vector<16xf32>
        %add3A_1016 = arith.addf %mul3A_1013, %add3A_1015 : vector<16xf32>
        %max3A_1017 = arith.constant 0.000000e+00 : f32
        %max3A_1018 = vector.broadcast %max3A_1017 : f32 to vector<16xf32>
        %max3A_1019 = arith.maximumf %sub3A_997, %max3A_1018 : vector<16xf32>
        %mul3A_1020 = arith.mulf %exp3A_1002, %add3A_1016 : vector<16xf32>
        %add3A_1021 = arith.addf %max3A_1019, %mul3A_1020 : vector<16xf32>
        %add3A_1022 = arith.addf %add3A_814, %add3A_1021 : vector<16xf32>
        %sub3A_1023 = arith.subf %gather3A_154, %get3A_658 : vector<16xf32>
        %abs3A_1024 = math.absf %sub3A_1023 : vector<16xf32>
        %neg3A_1025 = arith.constant 0.000000e+00 : f32
        %neg3A_1026 = vector.broadcast %neg3A_1025 : f32 to vector<16xf32>
        %neg3A_1027 = arith.subf %neg3A_1026, %abs3A_1024 : vector<16xf32>
        %exp3A_1028 = math.exp %neg3A_1027 : vector<16xf32>
        %mul3A_1029 = arith.constant -0.0738987624 : f32
        %mul3A_1030 = vector.broadcast %mul3A_1029 : f32 to vector<16xf32>
        %mul3A_1031 = arith.mulf %mul3A_1030, %exp3A_1028 : vector<16xf32>
        %add3A_1032 = arith.constant 0.251874179 : f32
        %add3A_1033 = vector.broadcast %add3A_1032 : f32 to vector<16xf32>
        %add3A_1034 = arith.addf %mul3A_1031, %add3A_1033 : vector<16xf32>
        %mul3A_1035 = arith.mulf %add3A_1034, %exp3A_1028 : vector<16xf32>
        %add3A_1036 = arith.constant -0.484635174 : f32
        %add3A_1037 = vector.broadcast %add3A_1036 : f32 to vector<16xf32>
        %add3A_1038 = arith.addf %mul3A_1035, %add3A_1037 : vector<16xf32>
        %mul3A_1039 = arith.mulf %add3A_1038, %exp3A_1028 : vector<16xf32>
        %add3A_1040 = arith.constant 0.999301254 : f32
        %add3A_1041 = vector.broadcast %add3A_1040 : f32 to vector<16xf32>
        %add3A_1042 = arith.addf %mul3A_1039, %add3A_1041 : vector<16xf32>
        %max3A_1043 = arith.constant 0.000000e+00 : f32
        %max3A_1044 = vector.broadcast %max3A_1043 : f32 to vector<16xf32>
        %max3A_1045 = arith.maximumf %sub3A_1023, %max3A_1044 : vector<16xf32>
        %mul3A_1046 = arith.mulf %exp3A_1028, %add3A_1042 : vector<16xf32>
        %add3A_1047 = arith.addf %max3A_1045, %mul3A_1046 : vector<16xf32>
        %add3A_1048 = arith.addf %add3A_840, %add3A_1047 : vector<16xf32>
        %sub3A_1049 = arith.subf %gather3A_158, %get3A_658 : vector<16xf32>
        %abs3A_1050 = math.absf %sub3A_1049 : vector<16xf32>
        %neg3A_1051 = arith.constant 0.000000e+00 : f32
        %neg3A_1052 = vector.broadcast %neg3A_1051 : f32 to vector<16xf32>
        %neg3A_1053 = arith.subf %neg3A_1052, %abs3A_1050 : vector<16xf32>
        %exp3A_1054 = math.exp %neg3A_1053 : vector<16xf32>
        %mul3A_1055 = arith.constant -0.0738987624 : f32
        %mul3A_1056 = vector.broadcast %mul3A_1055 : f32 to vector<16xf32>
        %mul3A_1057 = arith.mulf %mul3A_1056, %exp3A_1054 : vector<16xf32>
        %add3A_1058 = arith.constant 0.251874179 : f32
        %add3A_1059 = vector.broadcast %add3A_1058 : f32 to vector<16xf32>
        %add3A_1060 = arith.addf %mul3A_1057, %add3A_1059 : vector<16xf32>
        %mul3A_1061 = arith.mulf %add3A_1060, %exp3A_1054 : vector<16xf32>
        %add3A_1062 = arith.constant -0.484635174 : f32
        %add3A_1063 = vector.broadcast %add3A_1062 : f32 to vector<16xf32>
        %add3A_1064 = arith.addf %mul3A_1061, %add3A_1063 : vector<16xf32>
        %mul3A_1065 = arith.mulf %add3A_1064, %exp3A_1054 : vector<16xf32>
        %add3A_1066 = arith.constant 0.999301254 : f32
        %add3A_1067 = vector.broadcast %add3A_1066 : f32 to vector<16xf32>
        %add3A_1068 = arith.addf %mul3A_1065, %add3A_1067 : vector<16xf32>
        %max3A_1069 = arith.constant 0.000000e+00 : f32
        %max3A_1070 = vector.broadcast %max3A_1069 : f32 to vector<16xf32>
        %max3A_1071 = arith.maximumf %sub3A_1049, %max3A_1070 : vector<16xf32>
        %mul3A_1072 = arith.mulf %exp3A_1054, %add3A_1068 : vector<16xf32>
        %add3A_1073 = arith.addf %max3A_1071, %mul3A_1072 : vector<16xf32>
        %add3A_1074 = arith.addf %add3A_866, %add3A_1073 : vector<16xf32>
        scf.yield %add3A_892, %add3A_918, %add3A_944, %add3A_970, %add3A_996, %add3A_1022, %add3A_1048, %add3A_1074 : vector<16xf32>, vector<16xf32>, vector<16xf32>, vector<16xf32>, vector<16xf32>, vector<16xf32>, vector<16xf32>, vector<16xf32>
      }
      %while3A_167 = arith.constant 1 : i32
      %while3A_168:8 = scf.for %while3A_645 = %while3A_164 to %while3A_160 step %while3A_167 iter_args(%while3A_646 = %while3A_166#0, %while3A_647 = %while3A_166#1, %while3A_648 = %while3A_166#2, %while3A_649 = %while3A_166#3, %while3A_650 = %while3A_166#4, %while3A_651 = %while3A_166#5, %while3A_652 = %while3A_166#6, %while3A_653 = %while3A_166#7) -> (vector<16xf32>, vector<16xf32>, vector<16xf32>, vector<16xf32>, vector<16xf32>, vector<16xf32>, vector<16xf32>, vector<16xf32>)  : i32 {
        %mul3A_654 = arith.constant 16 : i32
        %mul3A_655 = arith.muli %while3A_645, %mul3A_654 : i32
        %get3A_656 = arith.index_cast %mul3A_655 : i32 to index
        %get3A_657 = tpu.vector_load %arg4[%get3A_656] {strides = array<i32>} : memref<256xf32, #tpu.memory_space<vmem>>, vector<16xf32>,
        %get3A_658 = vector.shape_cast %get3A_657 : vector<16xf32> to vector<16xf32>
        %sub3A_659 = arith.subf %gather3A_98, %get3A_658 : vector<16xf32>
        %abs3A_660 = math.absf %sub3A_659 : vector<16xf32>
        %neg3A_661 = arith.constant 0.000000e+00 : f32
        %neg3A_662 = vector.broadcast %neg3A_661 : f32 to vector<16xf32>
        %neg3A_663 = arith.subf %neg3A_662, %abs3A_660 : vector<16xf32>
        %exp3A_664 = math.exp %neg3A_663 : vector<16xf32>
        %mul3A_665 = arith.constant -0.0738987624 : f32
        %mul3A_666 = vector.broadcast %mul3A_665 : f32 to vector<16xf32>
        %mul3A_667 = arith.mulf %mul3A_666, %exp3A_664 : vector<16xf32>
        %add3A_668 = arith.constant 0.251874179 : f32
        %add3A_669 = vector.broadcast %add3A_668 : f32 to vector<16xf32>
        %add3A_670 = arith.addf %mul3A_667, %add3A_669 : vector<16xf32>
        %mul3A_671 = arith.mulf %add3A_670, %exp3A_664 : vector<16xf32>
        %add3A_672 = arith.constant -0.484635174 : f32
        %add3A_673 = vector.broadcast %add3A_672 : f32 to vector<16xf32>
        %add3A_674 = arith.addf %mul3A_671, %add3A_673 : vector<16xf32>
        %mul3A_675 = arith.mulf %add3A_674, %exp3A_664 : vector<16xf32>
        %add3A_676 = arith.constant 0.999301254 : f32
        %add3A_677 = vector.broadcast %add3A_676 : f32 to vector<16xf32>
        %add3A_678 = arith.addf %mul3A_675, %add3A_677 : vector<16xf32>
        %max3A_679 = arith.constant 0.000000e+00 : f32
        %max3A_680 = vector.broadcast %max3A_679 : f32 to vector<16xf32>
        %max3A_681 = arith.maximumf %sub3A_659, %max3A_680 : vector<16xf32>
        %mul3A_682 = arith.mulf %exp3A_664, %add3A_678 : vector<16xf32>
        %add3A_683 = arith.addf %max3A_681, %mul3A_682 : vector<16xf32>
        %add3A_684 = arith.addf %while3A_646, %add3A_683 : vector<16xf32>
        %sub3A_685 = arith.subf %gather3A_102, %get3A_658 : vector<16xf32>
        %abs3A_686 = math.absf %sub3A_685 : vector<16xf32>
        %neg3A_687 = arith.constant 0.000000e+00 : f32
        %neg3A_688 = vector.broadcast %neg3A_687 : f32 to vector<16xf32>
        %neg3A_689 = arith.subf %neg3A_688, %abs3A_686 : vector<16xf32>
        %exp3A_690 = math.exp %neg3A_689 : vector<16xf32>
        %mul3A_691 = arith.constant -0.0738987624 : f32
        %mul3A_692 = vector.broadcast %mul3A_691 : f32 to vector<16xf32>
        %mul3A_693 = arith.mulf %mul3A_692, %exp3A_690 : vector<16xf32>
        %add3A_694 = arith.constant 0.251874179 : f32
        %add3A_695 = vector.broadcast %add3A_694 : f32 to vector<16xf32>
        %add3A_696 = arith.addf %mul3A_693, %add3A_695 : vector<16xf32>
        %mul3A_697 = arith.mulf %add3A_696, %exp3A_690 : vector<16xf32>
        %add3A_698 = arith.constant -0.484635174 : f32
        %add3A_699 = vector.broadcast %add3A_698 : f32 to vector<16xf32>
        %add3A_700 = arith.addf %mul3A_697, %add3A_699 : vector<16xf32>
        %mul3A_701 = arith.mulf %add3A_700, %exp3A_690 : vector<16xf32>
        %add3A_702 = arith.constant 0.999301254 : f32
        %add3A_703 = vector.broadcast %add3A_702 : f32 to vector<16xf32>
        %add3A_704 = arith.addf %mul3A_701, %add3A_703 : vector<16xf32>
        %max3A_705 = arith.constant 0.000000e+00 : f32
        %max3A_706 = vector.broadcast %max3A_705 : f32 to vector<16xf32>
        %max3A_707 = arith.maximumf %sub3A_685, %max3A_706 : vector<16xf32>
        %mul3A_708 = arith.mulf %exp3A_690, %add3A_704 : vector<16xf32>
        %add3A_709 = arith.addf %max3A_707, %mul3A_708 : vector<16xf32>
        %add3A_710 = arith.addf %while3A_647, %add3A_709 : vector<16xf32>
        %sub3A_711 = arith.subf %gather3A_106, %get3A_658 : vector<16xf32>
        %abs3A_712 = math.absf %sub3A_711 : vector<16xf32>
        %neg3A_713 = arith.constant 0.000000e+00 : f32
        %neg3A_714 = vector.broadcast %neg3A_713 : f32 to vector<16xf32>
        %neg3A_715 = arith.subf %neg3A_714, %abs3A_712 : vector<16xf32>
        %exp3A_716 = math.exp %neg3A_715 : vector<16xf32>
        %mul3A_717 = arith.constant -0.0738987624 : f32
        %mul3A_718 = vector.broadcast %mul3A_717 : f32 to vector<16xf32>
        %mul3A_719 = arith.mulf %mul3A_718, %exp3A_716 : vector<16xf32>
        %add3A_720 = arith.constant 0.251874179 : f32
        %add3A_721 = vector.broadcast %add3A_720 : f32 to vector<16xf32>
        %add3A_722 = arith.addf %mul3A_719, %add3A_721 : vector<16xf32>
        %mul3A_723 = arith.mulf %add3A_722, %exp3A_716 : vector<16xf32>
        %add3A_724 = arith.constant -0.484635174 : f32
        %add3A_725 = vector.broadcast %add3A_724 : f32 to vector<16xf32>
        %add3A_726 = arith.addf %mul3A_723, %add3A_725 : vector<16xf32>
        %mul3A_727 = arith.mulf %add3A_726, %exp3A_716 : vector<16xf32>
        %add3A_728 = arith.constant 0.999301254 : f32
        %add3A_729 = vector.broadcast %add3A_728 : f32 to vector<16xf32>
        %add3A_730 = arith.addf %mul3A_727, %add3A_729 : vector<16xf32>
        %max3A_731 = arith.constant 0.000000e+00 : f32
        %max3A_732 = vector.broadcast %max3A_731 : f32 to vector<16xf32>
        %max3A_733 = arith.maximumf %sub3A_711, %max3A_732 : vector<16xf32>
        %mul3A_734 = arith.mulf %exp3A_716, %add3A_730 : vector<16xf32>
        %add3A_735 = arith.addf %max3A_733, %mul3A_734 : vector<16xf32>
        %add3A_736 = arith.addf %while3A_648, %add3A_735 : vector<16xf32>
        %sub3A_737 = arith.subf %gather3A_110, %get3A_658 : vector<16xf32>
        %abs3A_738 = math.absf %sub3A_737 : vector<16xf32>
        %neg3A_739 = arith.constant 0.000000e+00 : f32
        %neg3A_740 = vector.broadcast %neg3A_739 : f32 to vector<16xf32>
        %neg3A_741 = arith.subf %neg3A_740, %abs3A_738 : vector<16xf32>
        %exp3A_742 = math.exp %neg3A_741 : vector<16xf32>
        %mul3A_743 = arith.constant -0.0738987624 : f32
        %mul3A_744 = vector.broadcast %mul3A_743 : f32 to vector<16xf32>
        %mul3A_745 = arith.mulf %mul3A_744, %exp3A_742 : vector<16xf32>
        %add3A_746 = arith.constant 0.251874179 : f32
        %add3A_747 = vector.broadcast %add3A_746 : f32 to vector<16xf32>
        %add3A_748 = arith.addf %mul3A_745, %add3A_747 : vector<16xf32>
        %mul3A_749 = arith.mulf %add3A_748, %exp3A_742 : vector<16xf32>
        %add3A_750 = arith.constant -0.484635174 : f32
        %add3A_751 = vector.broadcast %add3A_750 : f32 to vector<16xf32>
        %add3A_752 = arith.addf %mul3A_749, %add3A_751 : vector<16xf32>
        %mul3A_753 = arith.mulf %add3A_752, %exp3A_742 : vector<16xf32>
        %add3A_754 = arith.constant 0.999301254 : f32
        %add3A_755 = vector.broadcast %add3A_754 : f32 to vector<16xf32>
        %add3A_756 = arith.addf %mul3A_753, %add3A_755 : vector<16xf32>
        %max3A_757 = arith.constant 0.000000e+00 : f32
        %max3A_758 = vector.broadcast %max3A_757 : f32 to vector<16xf32>
        %max3A_759 = arith.maximumf %sub3A_737, %max3A_758 : vector<16xf32>
        %mul3A_760 = arith.mulf %exp3A_742, %add3A_756 : vector<16xf32>
        %add3A_761 = arith.addf %max3A_759, %mul3A_760 : vector<16xf32>
        %add3A_762 = arith.addf %while3A_649, %add3A_761 : vector<16xf32>
        %sub3A_763 = arith.subf %gather3A_114, %get3A_658 : vector<16xf32>
        %abs3A_764 = math.absf %sub3A_763 : vector<16xf32>
        %neg3A_765 = arith.constant 0.000000e+00 : f32
        %neg3A_766 = vector.broadcast %neg3A_765 : f32 to vector<16xf32>
        %neg3A_767 = arith.subf %neg3A_766, %abs3A_764 : vector<16xf32>
        %exp3A_768 = math.exp %neg3A_767 : vector<16xf32>
        %mul3A_769 = arith.constant -0.0738987624 : f32
        %mul3A_770 = vector.broadcast %mul3A_769 : f32 to vector<16xf32>
        %mul3A_771 = arith.mulf %mul3A_770, %exp3A_768 : vector<16xf32>
        %add3A_772 = arith.constant 0.251874179 : f32
        %add3A_773 = vector.broadcast %add3A_772 : f32 to vector<16xf32>
        %add3A_774 = arith.addf %mul3A_771, %add3A_773 : vector<16xf32>
        %mul3A_775 = arith.mulf %add3A_774, %exp3A_768 : vector<16xf32>
        %add3A_776 = arith.constant -0.484635174 : f32
        %add3A_777 = vector.broadcast %add3A_776 : f32 to vector<16xf32>
        %add3A_778 = arith.addf %mul3A_775, %add3A_777 : vector<16xf32>
        %mul3A_779 = arith.mulf %add3A_778, %exp3A_768 : vector<16xf32>
        %add3A_780 = arith.constant 0.999301254 : f32
        %add3A_781 = vector.broadcast %add3A_780 : f32 to vector<16xf32>
        %add3A_782 = arith.addf %mul3A_779, %add3A_781 : vector<16xf32>
        %max3A_783 = arith.constant 0.000000e+00 : f32
        %max3A_784 = vector.broadcast %max3A_783 : f32 to vector<16xf32>
        %max3A_785 = arith.maximumf %sub3A_763, %max3A_784 : vector<16xf32>
        %mul3A_786 = arith.mulf %exp3A_768, %add3A_782 : vector<16xf32>
        %add3A_787 = arith.addf %max3A_785, %mul3A_786 : vector<16xf32>
        %add3A_788 = arith.addf %while3A_650, %add3A_787 : vector<16xf32>
        %sub3A_789 = arith.subf %gather3A_118, %get3A_658 : vector<16xf32>
        %abs3A_790 = math.absf %sub3A_789 : vector<16xf32>
        %neg3A_791 = arith.constant 0.000000e+00 : f32
        %neg3A_792 = vector.broadcast %neg3A_791 : f32 to vector<16xf32>
        %neg3A_793 = arith.subf %neg3A_792, %abs3A_790 : vector<16xf32>
        %exp3A_794 = math.exp %neg3A_793 : vector<16xf32>
        %mul3A_795 = arith.constant -0.0738987624 : f32
        %mul3A_796 = vector.broadcast %mul3A_795 : f32 to vector<16xf32>
        %mul3A_797 = arith.mulf %mul3A_796, %exp3A_794 : vector<16xf32>
        %add3A_798 = arith.constant 0.251874179 : f32
        %add3A_799 = vector.broadcast %add3A_798 : f32 to vector<16xf32>
        %add3A_800 = arith.addf %mul3A_797, %add3A_799 : vector<16xf32>
        %mul3A_801 = arith.mulf %add3A_800, %exp3A_794 : vector<16xf32>
        %add3A_802 = arith.constant -0.484635174 : f32
        %add3A_803 = vector.broadcast %add3A_802 : f32 to vector<16xf32>
        %add3A_804 = arith.addf %mul3A_801, %add3A_803 : vector<16xf32>
        %mul3A_805 = arith.mulf %add3A_804, %exp3A_794 : vector<16xf32>
        %add3A_806 = arith.constant 0.999301254 : f32
        %add3A_807 = vector.broadcast %add3A_806 : f32 to vector<16xf32>
        %add3A_808 = arith.addf %mul3A_805, %add3A_807 : vector<16xf32>
        %max3A_809 = arith.constant 0.000000e+00 : f32
        %max3A_810 = vector.broadcast %max3A_809 : f32 to vector<16xf32>
        %max3A_811 = arith.maximumf %sub3A_789, %max3A_810 : vector<16xf32>
        %mul3A_812 = arith.mulf %exp3A_794, %add3A_808 : vector<16xf32>
        %add3A_813 = arith.addf %max3A_811, %mul3A_812 : vector<16xf32>
        %add3A_814 = arith.addf %while3A_651, %add3A_813 : vector<16xf32>
        %sub3A_815 = arith.subf %gather3A_122, %get3A_658 : vector<16xf32>
        %abs3A_816 = math.absf %sub3A_815 : vector<16xf32>
        %neg3A_817 = arith.constant 0.000000e+00 : f32
        %neg3A_818 = vector.broadcast %neg3A_817 : f32 to vector<16xf32>
        %neg3A_819 = arith.subf %neg3A_818, %abs3A_816 : vector<16xf32>
        %exp3A_820 = math.exp %neg3A_819 : vector<16xf32>
        %mul3A_821 = arith.constant -0.0738987624 : f32
        %mul3A_822 = vector.broadcast %mul3A_821 : f32 to vector<16xf32>
        %mul3A_823 = arith.mulf %mul3A_822, %exp3A_820 : vector<16xf32>
        %add3A_824 = arith.constant 0.251874179 : f32
        %add3A_825 = vector.broadcast %add3A_824 : f32 to vector<16xf32>
        %add3A_826 = arith.addf %mul3A_823, %add3A_825 : vector<16xf32>
        %mul3A_827 = arith.mulf %add3A_826, %exp3A_820 : vector<16xf32>
        %add3A_828 = arith.constant -0.484635174 : f32
        %add3A_829 = vector.broadcast %add3A_828 : f32 to vector<16xf32>
        %add3A_830 = arith.addf %mul3A_827, %add3A_829 : vector<16xf32>
        %mul3A_831 = arith.mulf %add3A_830, %exp3A_820 : vector<16xf32>
        %add3A_832 = arith.constant 0.999301254 : f32
        %add3A_833 = vector.broadcast %add3A_832 : f32 to vector<16xf32>
        %add3A_834 = arith.addf %mul3A_831, %add3A_833 : vector<16xf32>
        %max3A_835 = arith.constant 0.000000e+00 : f32
        %max3A_836 = vector.broadcast %max3A_835 : f32 to vector<16xf32>
        %max3A_837 = arith.maximumf %sub3A_815, %max3A_836 : vector<16xf32>
        %mul3A_838 = arith.mulf %exp3A_820, %add3A_834 : vector<16xf32>
        %add3A_839 = arith.addf %max3A_837, %mul3A_838 : vector<16xf32>
        %add3A_840 = arith.addf %while3A_652, %add3A_839 : vector<16xf32>
        %sub3A_841 = arith.subf %gather3A_126, %get3A_658 : vector<16xf32>
        %abs3A_842 = math.absf %sub3A_841 : vector<16xf32>
        %neg3A_843 = arith.constant 0.000000e+00 : f32
        %neg3A_844 = vector.broadcast %neg3A_843 : f32 to vector<16xf32>
        %neg3A_845 = arith.subf %neg3A_844, %abs3A_842 : vector<16xf32>
        %exp3A_846 = math.exp %neg3A_845 : vector<16xf32>
        %mul3A_847 = arith.constant -0.0738987624 : f32
        %mul3A_848 = vector.broadcast %mul3A_847 : f32 to vector<16xf32>
        %mul3A_849 = arith.mulf %mul3A_848, %exp3A_846 : vector<16xf32>
        %add3A_850 = arith.constant 0.251874179 : f32
        %add3A_851 = vector.broadcast %add3A_850 : f32 to vector<16xf32>
        %add3A_852 = arith.addf %mul3A_849, %add3A_851 : vector<16xf32>
        %mul3A_853 = arith.mulf %add3A_852, %exp3A_846 : vector<16xf32>
        %add3A_854 = arith.constant -0.484635174 : f32
        %add3A_855 = vector.broadcast %add3A_854 : f32 to vector<16xf32>
        %add3A_856 = arith.addf %mul3A_853, %add3A_855 : vector<16xf32>
        %mul3A_857 = arith.mulf %add3A_856, %exp3A_846 : vector<16xf32>
        %add3A_858 = arith.constant 0.999301254 : f32
        %add3A_859 = vector.broadcast %add3A_858 : f32 to vector<16xf32>
        %add3A_860 = arith.addf %mul3A_857, %add3A_859 : vector<16xf32>
        %max3A_861 = arith.constant 0.000000e+00 : f32
        %max3A_862 = vector.broadcast %max3A_861 : f32 to vector<16xf32>
        %max3A_863 = arith.maximumf %sub3A_841, %max3A_862 : vector<16xf32>
        %mul3A_864 = arith.mulf %exp3A_846, %add3A_860 : vector<16xf32>
        %add3A_865 = arith.addf %max3A_863, %mul3A_864 : vector<16xf32>
        %add3A_866 = arith.addf %while3A_653, %add3A_865 : vector<16xf32>
        %sub3A_867 = arith.subf %gather3A_130, %get3A_658 : vector<16xf32>
        %abs3A_868 = math.absf %sub3A_867 : vector<16xf32>
        %neg3A_869 = arith.constant 0.000000e+00 : f32
        %neg3A_870 = vector.broadcast %neg3A_869 : f32 to vector<16xf32>
        %neg3A_871 = arith.subf %neg3A_870, %abs3A_868 : vector<16xf32>
        %exp3A_872 = math.exp %neg3A_871 : vector<16xf32>
        %mul3A_873 = arith.constant -0.0738987624 : f32
        %mul3A_874 = vector.broadcast %mul3A_873 : f32 to vector<16xf32>
        %mul3A_875 = arith.mulf %mul3A_874, %exp3A_872 : vector<16xf32>
        %add3A_876 = arith.constant 0.251874179 : f32
        %add3A_877 = vector.broadcast %add3A_876 : f32 to vector<16xf32>
        %add3A_878 = arith.addf %mul3A_875, %add3A_877 : vector<16xf32>
        %mul3A_879 = arith.mulf %add3A_878, %exp3A_872 : vector<16xf32>
        %add3A_880 = arith.constant -0.484635174 : f32
        %add3A_881 = vector.broadcast %add3A_880 : f32 to vector<16xf32>
        %add3A_882 = arith.addf %mul3A_879, %add3A_881 : vector<16xf32>
        %mul3A_883 = arith.mulf %add3A_882, %exp3A_872 : vector<16xf32>
        %add3A_884 = arith.constant 0.999301254 : f32
        %add3A_885 = vector.broadcast %add3A_884 : f32 to vector<16xf32>
        %add3A_886 = arith.addf %mul3A_883, %add3A_885 : vector<16xf32>
        %max3A_887 = arith.constant 0.000000e+00 : f32
        %max3A_888 = vector.broadcast %max3A_887 : f32 to vector<16xf32>
        %max3A_889 = arith.maximumf %sub3A_867, %max3A_888 : vector<16xf32>
        %mul3A_890 = arith.mulf %exp3A_872, %add3A_886 : vector<16xf32>
        %add3A_891 = arith.addf %max3A_889, %mul3A_890 : vector<16xf32>
        %add3A_892 = arith.addf %add3A_684, %add3A_891 : vector<16xf32>
        %sub3A_893 = arith.subf %gather3A_134, %get3A_658 : vector<16xf32>
        %abs3A_894 = math.absf %sub3A_893 : vector<16xf32>
        %neg3A_895 = arith.constant 0.000000e+00 : f32
        %neg3A_896 = vector.broadcast %neg3A_895 : f32 to vector<16xf32>
        %neg3A_897 = arith.subf %neg3A_896, %abs3A_894 : vector<16xf32>
        %exp3A_898 = math.exp %neg3A_897 : vector<16xf32>
        %mul3A_899 = arith.constant -0.0738987624 : f32
        %mul3A_900 = vector.broadcast %mul3A_899 : f32 to vector<16xf32>
        %mul3A_901 = arith.mulf %mul3A_900, %exp3A_898 : vector<16xf32>
        %add3A_902 = arith.constant 0.251874179 : f32
        %add3A_903 = vector.broadcast %add3A_902 : f32 to vector<16xf32>
        %add3A_904 = arith.addf %mul3A_901, %add3A_903 : vector<16xf32>
        %mul3A_905 = arith.mulf %add3A_904, %exp3A_898 : vector<16xf32>
        %add3A_906 = arith.constant -0.484635174 : f32
        %add3A_907 = vector.broadcast %add3A_906 : f32 to vector<16xf32>
        %add3A_908 = arith.addf %mul3A_905, %add3A_907 : vector<16xf32>
        %mul3A_909 = arith.mulf %add3A_908, %exp3A_898 : vector<16xf32>
        %add3A_910 = arith.constant 0.999301254 : f32
        %add3A_911 = vector.broadcast %add3A_910 : f32 to vector<16xf32>
        %add3A_912 = arith.addf %mul3A_909, %add3A_911 : vector<16xf32>
        %max3A_913 = arith.constant 0.000000e+00 : f32
        %max3A_914 = vector.broadcast %max3A_913 : f32 to vector<16xf32>
        %max3A_915 = arith.maximumf %sub3A_893, %max3A_914 : vector<16xf32>
        %mul3A_916 = arith.mulf %exp3A_898, %add3A_912 : vector<16xf32>
        %add3A_917 = arith.addf %max3A_915, %mul3A_916 : vector<16xf32>
        %add3A_918 = arith.addf %add3A_710, %add3A_917 : vector<16xf32>
        %sub3A_919 = arith.subf %gather3A_138, %get3A_658 : vector<16xf32>
        %abs3A_920 = math.absf %sub3A_919 : vector<16xf32>
        %neg3A_921 = arith.constant 0.000000e+00 : f32
        %neg3A_922 = vector.broadcast %neg3A_921 : f32 to vector<16xf32>
        %neg3A_923 = arith.subf %neg3A_922, %abs3A_920 : vector<16xf32>
        %exp3A_924 = math.exp %neg3A_923 : vector<16xf32>
        %mul3A_925 = arith.constant -0.0738987624 : f32
        %mul3A_926 = vector.broadcast %mul3A_925 : f32 to vector<16xf32>
        %mul3A_927 = arith.mulf %mul3A_926, %exp3A_924 : vector<16xf32>
        %add3A_928 = arith.constant 0.251874179 : f32
        %add3A_929 = vector.broadcast %add3A_928 : f32 to vector<16xf32>
        %add3A_930 = arith.addf %mul3A_927, %add3A_929 : vector<16xf32>
        %mul3A_931 = arith.mulf %add3A_930, %exp3A_924 : vector<16xf32>
        %add3A_932 = arith.constant -0.484635174 : f32
        %add3A_933 = vector.broadcast %add3A_932 : f32 to vector<16xf32>
        %add3A_934 = arith.addf %mul3A_931, %add3A_933 : vector<16xf32>
        %mul3A_935 = arith.mulf %add3A_934, %exp3A_924 : vector<16xf32>
        %add3A_936 = arith.constant 0.999301254 : f32
        %add3A_937 = vector.broadcast %add3A_936 : f32 to vector<16xf32>
        %add3A_938 = arith.addf %mul3A_935, %add3A_937 : vector<16xf32>
        %max3A_939 = arith.constant 0.000000e+00 : f32
        %max3A_940 = vector.broadcast %max3A_939 : f32 to vector<16xf32>
        %max3A_941 = arith.maximumf %sub3A_919, %max3A_940 : vector<16xf32>
        %mul3A_942 = arith.mulf %exp3A_924, %add3A_938 : vector<16xf32>
        %add3A_943 = arith.addf %max3A_941, %mul3A_942 : vector<16xf32>
        %add3A_944 = arith.addf %add3A_736, %add3A_943 : vector<16xf32>
        %sub3A_945 = arith.subf %gather3A_142, %get3A_658 : vector<16xf32>
        %abs3A_946 = math.absf %sub3A_945 : vector<16xf32>
        %neg3A_947 = arith.constant 0.000000e+00 : f32
        %neg3A_948 = vector.broadcast %neg3A_947 : f32 to vector<16xf32>
        %neg3A_949 = arith.subf %neg3A_948, %abs3A_946 : vector<16xf32>
        %exp3A_950 = math.exp %neg3A_949 : vector<16xf32>
        %mul3A_951 = arith.constant -0.0738987624 : f32
        %mul3A_952 = vector.broadcast %mul3A_951 : f32 to vector<16xf32>
        %mul3A_953 = arith.mulf %mul3A_952, %exp3A_950 : vector<16xf32>
        %add3A_954 = arith.constant 0.251874179 : f32
        %add3A_955 = vector.broadcast %add3A_954 : f32 to vector<16xf32>
        %add3A_956 = arith.addf %mul3A_953, %add3A_955 : vector<16xf32>
        %mul3A_957 = arith.mulf %add3A_956, %exp3A_950 : vector<16xf32>
        %add3A_958 = arith.constant -0.484635174 : f32
        %add3A_959 = vector.broadcast %add3A_958 : f32 to vector<16xf32>
        %add3A_960 = arith.addf %mul3A_957, %add3A_959 : vector<16xf32>
        %mul3A_961 = arith.mulf %add3A_960, %exp3A_950 : vector<16xf32>
        %add3A_962 = arith.constant 0.999301254 : f32
        %add3A_963 = vector.broadcast %add3A_962 : f32 to vector<16xf32>
        %add3A_964 = arith.addf %mul3A_961, %add3A_963 : vector<16xf32>
        %max3A_965 = arith.constant 0.000000e+00 : f32
        %max3A_966 = vector.broadcast %max3A_965 : f32 to vector<16xf32>
        %max3A_967 = arith.maximumf %sub3A_945, %max3A_966 : vector<16xf32>
        %mul3A_968 = arith.mulf %exp3A_950, %add3A_964 : vector<16xf32>
        %add3A_969 = arith.addf %max3A_967, %mul3A_968 : vector<16xf32>
        %add3A_970 = arith.addf %add3A_762, %add3A_969 : vector<16xf32>
        %sub3A_971 = arith.subf %gather3A_146, %get3A_658 : vector<16xf32>
        %abs3A_972 = math.absf %sub3A_971 : vector<16xf32>
        %neg3A_973 = arith.constant 0.000000e+00 : f32
        %neg3A_974 = vector.broadcast %neg3A_973 : f32 to vector<16xf32>
        %neg3A_975 = arith.subf %neg3A_974, %abs3A_972 : vector<16xf32>
        %exp3A_976 = math.exp %neg3A_975 : vector<16xf32>
        %mul3A_977 = arith.constant -0.0738987624 : f32
        %mul3A_978 = vector.broadcast %mul3A_977 : f32 to vector<16xf32>
        %mul3A_979 = arith.mulf %mul3A_978, %exp3A_976 : vector<16xf32>
        %add3A_980 = arith.constant 0.251874179 : f32
        %add3A_981 = vector.broadcast %add3A_980 : f32 to vector<16xf32>
        %add3A_982 = arith.addf %mul3A_979, %add3A_981 : vector<16xf32>
        %mul3A_983 = arith.mulf %add3A_982, %exp3A_976 : vector<16xf32>
        %add3A_984 = arith.constant -0.484635174 : f32
        %add3A_985 = vector.broadcast %add3A_984 : f32 to vector<16xf32>
        %add3A_986 = arith.addf %mul3A_983, %add3A_985 : vector<16xf32>
        %mul3A_987 = arith.mulf %add3A_986, %exp3A_976 : vector<16xf32>
        %add3A_988 = arith.constant 0.999301254 : f32
        %add3A_989 = vector.broadcast %add3A_988 : f32 to vector<16xf32>
        %add3A_990 = arith.addf %mul3A_987, %add3A_989 : vector<16xf32>
        %max3A_991 = arith.constant 0.000000e+00 : f32
        %max3A_992 = vector.broadcast %max3A_991 : f32 to vector<16xf32>
        %max3A_993 = arith.maximumf %sub3A_971, %max3A_992 : vector<16xf32>
        %mul3A_994 = arith.mulf %exp3A_976, %add3A_990 : vector<16xf32>
        %add3A_995 = arith.addf %max3A_993, %mul3A_994 : vector<16xf32>
        %add3A_996 = arith.addf %add3A_788, %add3A_995 : vector<16xf32>
        %sub3A_997 = arith.subf %gather3A_150, %get3A_658 : vector<16xf32>
        %abs3A_998 = math.absf %sub3A_997 : vector<16xf32>
        %neg3A_999 = arith.constant 0.000000e+00 : f32
        %neg3A_1000 = vector.broadcast %neg3A_999 : f32 to vector<16xf32>
        %neg3A_1001 = arith.subf %neg3A_1000, %abs3A_998 : vector<16xf32>
        %exp3A_1002 = math.exp %neg3A_1001 : vector<16xf32>
        %mul3A_1003 = arith.constant -0.0738987624 : f32
        %mul3A_1004 = vector.broadcast %mul3A_1003 : f32 to vector<16xf32>
        %mul3A_1005 = arith.mulf %mul3A_1004, %exp3A_1002 : vector<16xf32>
        %add3A_1006 = arith.constant 0.251874179 : f32
        %add3A_1007 = vector.broadcast %add3A_1006 : f32 to vector<16xf32>
        %add3A_1008 = arith.addf %mul3A_1005, %add3A_1007 : vector<16xf32>
        %mul3A_1009 = arith.mulf %add3A_1008, %exp3A_1002 : vector<16xf32>
        %add3A_1010 = arith.constant -0.484635174 : f32
        %add3A_1011 = vector.broadcast %add3A_1010 : f32 to vector<16xf32>
        %add3A_1012 = arith.addf %mul3A_1009, %add3A_1011 : vector<16xf32>
        %mul3A_1013 = arith.mulf %add3A_1012, %exp3A_1002 : vector<16xf32>
        %add3A_1014 = arith.constant 0.999301254 : f32
        %add3A_1015 = vector.broadcast %add3A_1014 : f32 to vector<16xf32>
        %add3A_1016 = arith.addf %mul3A_1013, %add3A_1015 : vector<16xf32>
        %max3A_1017 = arith.constant 0.000000e+00 : f32
        %max3A_1018 = vector.broadcast %max3A_1017 : f32 to vector<16xf32>
        %max3A_1019 = arith.maximumf %sub3A_997, %max3A_1018 : vector<16xf32>
        %mul3A_1020 = arith.mulf %exp3A_1002, %add3A_1016 : vector<16xf32>
        %add3A_1021 = arith.addf %max3A_1019, %mul3A_1020 : vector<16xf32>
        %add3A_1022 = arith.addf %add3A_814, %add3A_1021 : vector<16xf32>
        %sub3A_1023 = arith.subf %gather3A_154, %get3A_658 : vector<16xf32>
        %abs3A_1024 = math.absf %sub3A_1023 : vector<16xf32>
        %neg3A_1025 = arith.constant 0.000000e+00 : f32
        %neg3A_1026 = vector.broadcast %neg3A_1025 : f32 to vector<16xf32>
        %neg3A_1027 = arith.subf %neg3A_1026, %abs3A_1024 : vector<16xf32>
        %exp3A_1028 = math.exp %neg3A_1027 : vector<16xf32>
        %mul3A_1029 = arith.constant -0.0738987624 : f32
        %mul3A_1030 = vector.broadcast %mul3A_1029 : f32 to vector<16xf32>
        %mul3A_1031 = arith.mulf %mul3A_1030, %exp3A_1028 : vector<16xf32>
        %add3A_1032 = arith.constant 0.251874179 : f32
        %add3A_1033 = vector.broadcast %add3A_1032 : f32 to vector<16xf32>
        %add3A_1034 = arith.addf %mul3A_1031, %add3A_1033 : vector<16xf32>
        %mul3A_1035 = arith.mulf %add3A_1034, %exp3A_1028 : vector<16xf32>
        %add3A_1036 = arith.constant -0.484635174 : f32
        %add3A_1037 = vector.broadcast %add3A_1036 : f32 to vector<16xf32>
        %add3A_1038 = arith.addf %mul3A_1035, %add3A_1037 : vector<16xf32>
        %mul3A_1039 = arith.mulf %add3A_1038, %exp3A_1028 : vector<16xf32>
        %add3A_1040 = arith.constant 0.999301254 : f32
        %add3A_1041 = vector.broadcast %add3A_1040 : f32 to vector<16xf32>
        %add3A_1042 = arith.addf %mul3A_1039, %add3A_1041 : vector<16xf32>
        %max3A_1043 = arith.constant 0.000000e+00 : f32
        %max3A_1044 = vector.broadcast %max3A_1043 : f32 to vector<16xf32>
        %max3A_1045 = arith.maximumf %sub3A_1023, %max3A_1044 : vector<16xf32>
        %mul3A_1046 = arith.mulf %exp3A_1028, %add3A_1042 : vector<16xf32>
        %add3A_1047 = arith.addf %max3A_1045, %mul3A_1046 : vector<16xf32>
        %add3A_1048 = arith.addf %add3A_840, %add3A_1047 : vector<16xf32>
        %sub3A_1049 = arith.subf %gather3A_158, %get3A_658 : vector<16xf32>
        %abs3A_1050 = math.absf %sub3A_1049 : vector<16xf32>
        %neg3A_1051 = arith.constant 0.000000e+00 : f32
        %neg3A_1052 = vector.broadcast %neg3A_1051 : f32 to vector<16xf32>
        %neg3A_1053 = arith.subf %neg3A_1052, %abs3A_1050 : vector<16xf32>
        %exp3A_1054 = math.exp %neg3A_1053 : vector<16xf32>
        %mul3A_1055 = arith.constant -0.0738987624 : f32
        %mul3A_1056 = vector.broadcast %mul3A_1055 : f32 to vector<16xf32>
        %mul3A_1057 = arith.mulf %mul3A_1056, %exp3A_1054 : vector<16xf32>
        %add3A_1058 = arith.constant 0.251874179 : f32
        %add3A_1059 = vector.broadcast %add3A_1058 : f32 to vector<16xf32>
        %add3A_1060 = arith.addf %mul3A_1057, %add3A_1059 : vector<16xf32>
        %mul3A_1061 = arith.mulf %add3A_1060, %exp3A_1054 : vector<16xf32>
        %add3A_1062 = arith.constant -0.484635174 : f32
        %add3A_1063 = vector.broadcast %add3A_1062 : f32 to vector<16xf32>
        %add3A_1064 = arith.addf %mul3A_1061, %add3A_1063 : vector<16xf32>
        %mul3A_1065 = arith.mulf %add3A_1064, %exp3A_1054 : vector<16xf32>
        %add3A_1066 = arith.constant 0.999301254 : f32
        %add3A_1067 = vector.broadcast %add3A_1066 : f32 to vector<16xf32>
        %add3A_1068 = arith.addf %mul3A_1065, %add3A_1067 : vector<16xf32>
        %max3A_1069 = arith.constant 0.000000e+00 : f32
        %max3A_1070 = vector.broadcast %max3A_1069 : f32 to vector<16xf32>
        %max3A_1071 = arith.maximumf %sub3A_1049, %max3A_1070 : vector<16xf32>
        %mul3A_1072 = arith.mulf %exp3A_1054, %add3A_1068 : vector<16xf32>
        %add3A_1073 = arith.addf %max3A_1071, %mul3A_1072 : vector<16xf32>
        %add3A_1074 = arith.addf %add3A_866, %add3A_1073 : vector<16xf32>
        scf.yield %add3A_892, %add3A_918, %add3A_944, %add3A_970, %add3A_996, %add3A_1022, %add3A_1048, %add3A_1074 : vector<16xf32>, vector<16xf32>, vector<16xf32>, vector<16xf32>, vector<16xf32>, vector<16xf32>, vector<16xf32>, vector<16xf32>
      }
      %lt3A_169 = arith.constant 1 : i32
      %lt3A_170 = vector.broadcast %lt3A_169 : i32 to vector<16xi32>
      %lt3A_171 = arith.cmpi slt, %iota3A, %lt3A_170 : vector<16xi32>
      %sub3A_172 = arith.subf %gather3A_102, %get3A_95 : vector<16xf32>
      %abs3A = math.absf %sub3A_172 : vector<16xf32>
      %neg3A = arith.constant 0.000000e+00 : f32
      %neg3A_173 = vector.broadcast %neg3A : f32 to vector<16xf32>
      %neg3A_174 = arith.subf %neg3A_173, %abs3A : vector<16xf32>
      %exp3A = math.exp %neg3A_174 : vector<16xf32>
      %mul3A_175 = arith.constant -0.0738987624 : f32
      %mul3A_176 = vector.broadcast %mul3A_175 : f32 to vector<16xf32>
      %mul3A_177 = arith.mulf %mul3A_176, %exp3A : vector<16xf32>
      %add3A_178 = arith.constant 0.251874179 : f32
      %add3A_179 = vector.broadcast %add3A_178 : f32 to vector<16xf32>
      %add3A_180 = arith.addf %mul3A_177, %add3A_179 : vector<16xf32>
      %mul3A_181 = arith.mulf %add3A_180, %exp3A : vector<16xf32>
      %add3A_182 = arith.constant -0.484635174 : f32
      %add3A_183 = vector.broadcast %add3A_182 : f32 to vector<16xf32>
      %add3A_184 = arith.addf %mul3A_181, %add3A_183 : vector<16xf32>
      %mul3A_185 = arith.mulf %add3A_184, %exp3A : vector<16xf32>
      %add3A_186 = arith.constant 0.999301254 : f32
      %add3A_187 = vector.broadcast %add3A_186 : f32 to vector<16xf32>
      %add3A_188 = arith.addf %mul3A_185, %add3A_187 : vector<16xf32>
      %max3A = arith.constant 0.000000e+00 : f32
      %max3A_189 = vector.broadcast %max3A : f32 to vector<16xf32>
      %max3A_190 = arith.maximumf %sub3A_172, %max3A_189 : vector<16xf32>
      %mul3A_191 = arith.mulf %exp3A, %add3A_188 : vector<16xf32>
      %add3A_192 = arith.addf %max3A_190, %mul3A_191 : vector<16xf32>
      %jit3A_193 = arith.constant 0.000000e+00 : f32
      %broadcast_in_dim3A_194 = vector.broadcast %jit3A_193 : f32 to vector<16xf32>
      %select_n3A_195 = arith.select %lt3A_171, %add3A_192, %broadcast_in_dim3A_194 : vector<16xi1>, vector<16xf32>
      %add3A_196 = arith.addf %while3A_168#1, %select_n3A_195 : vector<16xf32>
      %lt3A_197 = arith.constant 2 : i32
      %lt3A_198 = vector.broadcast %lt3A_197 : i32 to vector<16xi32>
      %lt3A_199 = arith.cmpi slt, %iota3A, %lt3A_198 : vector<16xi32>
      %sub3A_200 = arith.subf %gather3A_106, %get3A_95 : vector<16xf32>
      %abs3A_201 = math.absf %sub3A_200 : vector<16xf32>
      %neg3A_202 = arith.constant 0.000000e+00 : f32
      %neg3A_203 = vector.broadcast %neg3A_202 : f32 to vector<16xf32>
      %neg3A_204 = arith.subf %neg3A_203, %abs3A_201 : vector<16xf32>
      %exp3A_205 = math.exp %neg3A_204 : vector<16xf32>
      %mul3A_206 = arith.constant -0.0738987624 : f32
      %mul3A_207 = vector.broadcast %mul3A_206 : f32 to vector<16xf32>
      %mul3A_208 = arith.mulf %mul3A_207, %exp3A_205 : vector<16xf32>
      %add3A_209 = arith.constant 0.251874179 : f32
      %add3A_210 = vector.broadcast %add3A_209 : f32 to vector<16xf32>
      %add3A_211 = arith.addf %mul3A_208, %add3A_210 : vector<16xf32>
      %mul3A_212 = arith.mulf %add3A_211, %exp3A_205 : vector<16xf32>
      %add3A_213 = arith.constant -0.484635174 : f32
      %add3A_214 = vector.broadcast %add3A_213 : f32 to vector<16xf32>
      %add3A_215 = arith.addf %mul3A_212, %add3A_214 : vector<16xf32>
      %mul3A_216 = arith.mulf %add3A_215, %exp3A_205 : vector<16xf32>
      %add3A_217 = arith.constant 0.999301254 : f32
      %add3A_218 = vector.broadcast %add3A_217 : f32 to vector<16xf32>
      %add3A_219 = arith.addf %mul3A_216, %add3A_218 : vector<16xf32>
      %max3A_220 = arith.constant 0.000000e+00 : f32
      %max3A_221 = vector.broadcast %max3A_220 : f32 to vector<16xf32>
      %max3A_222 = arith.maximumf %sub3A_200, %max3A_221 : vector<16xf32>
      %mul3A_223 = arith.mulf %exp3A_205, %add3A_219 : vector<16xf32>
      %add3A_224 = arith.addf %max3A_222, %mul3A_223 : vector<16xf32>
      %jit3A_225 = arith.constant 0.000000e+00 : f32
      %broadcast_in_dim3A_226 = vector.broadcast %jit3A_225 : f32 to vector<16xf32>
      %select_n3A_227 = arith.select %lt3A_199, %add3A_224, %broadcast_in_dim3A_226 : vector<16xi1>, vector<16xf32>
      %add3A_228 = arith.addf %while3A_168#2, %select_n3A_227 : vector<16xf32>
      %lt3A_229 = arith.constant 3 : i32
      %lt3A_230 = vector.broadcast %lt3A_229 : i32 to vector<16xi32>
      %lt3A_231 = arith.cmpi slt, %iota3A, %lt3A_230 : vector<16xi32>
      %sub3A_232 = arith.subf %gather3A_110, %get3A_95 : vector<16xf32>
      %abs3A_233 = math.absf %sub3A_232 : vector<16xf32>
      %neg3A_234 = arith.constant 0.000000e+00 : f32
      %neg3A_235 = vector.broadcast %neg3A_234 : f32 to vector<16xf32>
      %neg3A_236 = arith.subf %neg3A_235, %abs3A_233 : vector<16xf32>
      %exp3A_237 = math.exp %neg3A_236 : vector<16xf32>
      %mul3A_238 = arith.constant -0.0738987624 : f32
      %mul3A_239 = vector.broadcast %mul3A_238 : f32 to vector<16xf32>
      %mul3A_240 = arith.mulf %mul3A_239, %exp3A_237 : vector<16xf32>
      %add3A_241 = arith.constant 0.251874179 : f32
      %add3A_242 = vector.broadcast %add3A_241 : f32 to vector<16xf32>
      %add3A_243 = arith.addf %mul3A_240, %add3A_242 : vector<16xf32>
      %mul3A_244 = arith.mulf %add3A_243, %exp3A_237 : vector<16xf32>
      %add3A_245 = arith.constant -0.484635174 : f32
      %add3A_246 = vector.broadcast %add3A_245 : f32 to vector<16xf32>
      %add3A_247 = arith.addf %mul3A_244, %add3A_246 : vector<16xf32>
      %mul3A_248 = arith.mulf %add3A_247, %exp3A_237 : vector<16xf32>
      %add3A_249 = arith.constant 0.999301254 : f32
      %add3A_250 = vector.broadcast %add3A_249 : f32 to vector<16xf32>
      %add3A_251 = arith.addf %mul3A_248, %add3A_250 : vector<16xf32>
      %max3A_252 = arith.constant 0.000000e+00 : f32
      %max3A_253 = vector.broadcast %max3A_252 : f32 to vector<16xf32>
      %max3A_254 = arith.maximumf %sub3A_232, %max3A_253 : vector<16xf32>
      %mul3A_255 = arith.mulf %exp3A_237, %add3A_251 : vector<16xf32>
      %add3A_256 = arith.addf %max3A_254, %mul3A_255 : vector<16xf32>
      %jit3A_257 = arith.constant 0.000000e+00 : f32
      %broadcast_in_dim3A_258 = vector.broadcast %jit3A_257 : f32 to vector<16xf32>
      %select_n3A_259 = arith.select %lt3A_231, %add3A_256, %broadcast_in_dim3A_258 : vector<16xi1>, vector<16xf32>
      %add3A_260 = arith.addf %while3A_168#3, %select_n3A_259 : vector<16xf32>
      %lt3A_261 = arith.constant 4 : i32
      %lt3A_262 = vector.broadcast %lt3A_261 : i32 to vector<16xi32>
      %lt3A_263 = arith.cmpi slt, %iota3A, %lt3A_262 : vector<16xi32>
      %sub3A_264 = arith.subf %gather3A_114, %get3A_95 : vector<16xf32>
      %abs3A_265 = math.absf %sub3A_264 : vector<16xf32>
      %neg3A_266 = arith.constant 0.000000e+00 : f32
      %neg3A_267 = vector.broadcast %neg3A_266 : f32 to vector<16xf32>
      %neg3A_268 = arith.subf %neg3A_267, %abs3A_265 : vector<16xf32>
      %exp3A_269 = math.exp %neg3A_268 : vector<16xf32>
      %mul3A_270 = arith.constant -0.0738987624 : f32
      %mul3A_271 = vector.broadcast %mul3A_270 : f32 to vector<16xf32>
      %mul3A_272 = arith.mulf %mul3A_271, %exp3A_269 : vector<16xf32>
      %add3A_273 = arith.constant 0.251874179 : f32
      %add3A_274 = vector.broadcast %add3A_273 : f32 to vector<16xf32>
      %add3A_275 = arith.addf %mul3A_272, %add3A_274 : vector<16xf32>
      %mul3A_276 = arith.mulf %add3A_275, %exp3A_269 : vector<16xf32>
      %add3A_277 = arith.constant -0.484635174 : f32
      %add3A_278 = vector.broadcast %add3A_277 : f32 to vector<16xf32>
      %add3A_279 = arith.addf %mul3A_276, %add3A_278 : vector<16xf32>
      %mul3A_280 = arith.mulf %add3A_279, %exp3A_269 : vector<16xf32>
      %add3A_281 = arith.constant 0.999301254 : f32
      %add3A_282 = vector.broadcast %add3A_281 : f32 to vector<16xf32>
      %add3A_283 = arith.addf %mul3A_280, %add3A_282 : vector<16xf32>
      %max3A_284 = arith.constant 0.000000e+00 : f32
      %max3A_285 = vector.broadcast %max3A_284 : f32 to vector<16xf32>
      %max3A_286 = arith.maximumf %sub3A_264, %max3A_285 : vector<16xf32>
      %mul3A_287 = arith.mulf %exp3A_269, %add3A_283 : vector<16xf32>
      %add3A_288 = arith.addf %max3A_286, %mul3A_287 : vector<16xf32>
      %jit3A_289 = arith.constant 0.000000e+00 : f32
      %broadcast_in_dim3A_290 = vector.broadcast %jit3A_289 : f32 to vector<16xf32>
      %select_n3A_291 = arith.select %lt3A_263, %add3A_288, %broadcast_in_dim3A_290 : vector<16xi1>, vector<16xf32>
      %add3A_292 = arith.addf %while3A_168#4, %select_n3A_291 : vector<16xf32>
      %lt3A_293 = arith.constant 5 : i32
      %lt3A_294 = vector.broadcast %lt3A_293 : i32 to vector<16xi32>
      %lt3A_295 = arith.cmpi slt, %iota3A, %lt3A_294 : vector<16xi32>
      %sub3A_296 = arith.subf %gather3A_118, %get3A_95 : vector<16xf32>
      %abs3A_297 = math.absf %sub3A_296 : vector<16xf32>
      %neg3A_298 = arith.constant 0.000000e+00 : f32
      %neg3A_299 = vector.broadcast %neg3A_298 : f32 to vector<16xf32>
      %neg3A_300 = arith.subf %neg3A_299, %abs3A_297 : vector<16xf32>
      %exp3A_301 = math.exp %neg3A_300 : vector<16xf32>
      %mul3A_302 = arith.constant -0.0738987624 : f32
      %mul3A_303 = vector.broadcast %mul3A_302 : f32 to vector<16xf32>
      %mul3A_304 = arith.mulf %mul3A_303, %exp3A_301 : vector<16xf32>
      %add3A_305 = arith.constant 0.251874179 : f32
      %add3A_306 = vector.broadcast %add3A_305 : f32 to vector<16xf32>
      %add3A_307 = arith.addf %mul3A_304, %add3A_306 : vector<16xf32>
      %mul3A_308 = arith.mulf %add3A_307, %exp3A_301 : vector<16xf32>
      %add3A_309 = arith.constant -0.484635174 : f32
      %add3A_310 = vector.broadcast %add3A_309 : f32 to vector<16xf32>
      %add3A_311 = arith.addf %mul3A_308, %add3A_310 : vector<16xf32>
      %mul3A_312 = arith.mulf %add3A_311, %exp3A_301 : vector<16xf32>
      %add3A_313 = arith.constant 0.999301254 : f32
      %add3A_314 = vector.broadcast %add3A_313 : f32 to vector<16xf32>
      %add3A_315 = arith.addf %mul3A_312, %add3A_314 : vector<16xf32>
      %max3A_316 = arith.constant 0.000000e+00 : f32
      %max3A_317 = vector.broadcast %max3A_316 : f32 to vector<16xf32>
      %max3A_318 = arith.maximumf %sub3A_296, %max3A_317 : vector<16xf32>
      %mul3A_319 = arith.mulf %exp3A_301, %add3A_315 : vector<16xf32>
      %add3A_320 = arith.addf %max3A_318, %mul3A_319 : vector<16xf32>
      %jit3A_321 = arith.constant 0.000000e+00 : f32
      %broadcast_in_dim3A_322 = vector.broadcast %jit3A_321 : f32 to vector<16xf32>
      %select_n3A_323 = arith.select %lt3A_295, %add3A_320, %broadcast_in_dim3A_322 : vector<16xi1>, vector<16xf32>
      %add3A_324 = arith.addf %while3A_168#5, %select_n3A_323 : vector<16xf32>
      %lt3A_325 = arith.constant 6 : i32
      %lt3A_326 = vector.broadcast %lt3A_325 : i32 to vector<16xi32>
      %lt3A_327 = arith.cmpi slt, %iota3A, %lt3A_326 : vector<16xi32>
      %sub3A_328 = arith.subf %gather3A_122, %get3A_95 : vector<16xf32>
      %abs3A_329 = math.absf %sub3A_328 : vector<16xf32>
      %neg3A_330 = arith.constant 0.000000e+00 : f32
      %neg3A_331 = vector.broadcast %neg3A_330 : f32 to vector<16xf32>
      %neg3A_332 = arith.subf %neg3A_331, %abs3A_329 : vector<16xf32>
      %exp3A_333 = math.exp %neg3A_332 : vector<16xf32>
      %mul3A_334 = arith.constant -0.0738987624 : f32
      %mul3A_335 = vector.broadcast %mul3A_334 : f32 to vector<16xf32>
      %mul3A_336 = arith.mulf %mul3A_335, %exp3A_333 : vector<16xf32>
      %add3A_337 = arith.constant 0.251874179 : f32
      %add3A_338 = vector.broadcast %add3A_337 : f32 to vector<16xf32>
      %add3A_339 = arith.addf %mul3A_336, %add3A_338 : vector<16xf32>
      %mul3A_340 = arith.mulf %add3A_339, %exp3A_333 : vector<16xf32>
      %add3A_341 = arith.constant -0.484635174 : f32
      %add3A_342 = vector.broadcast %add3A_341 : f32 to vector<16xf32>
      %add3A_343 = arith.addf %mul3A_340, %add3A_342 : vector<16xf32>
      %mul3A_344 = arith.mulf %add3A_343, %exp3A_333 : vector<16xf32>
      %add3A_345 = arith.constant 0.999301254 : f32
      %add3A_346 = vector.broadcast %add3A_345 : f32 to vector<16xf32>
      %add3A_347 = arith.addf %mul3A_344, %add3A_346 : vector<16xf32>
      %max3A_348 = arith.constant 0.000000e+00 : f32
      %max3A_349 = vector.broadcast %max3A_348 : f32 to vector<16xf32>
      %max3A_350 = arith.maximumf %sub3A_328, %max3A_349 : vector<16xf32>
      %mul3A_351 = arith.mulf %exp3A_333, %add3A_347 : vector<16xf32>
      %add3A_352 = arith.addf %max3A_350, %mul3A_351 : vector<16xf32>
      %jit3A_353 = arith.constant 0.000000e+00 : f32
      %broadcast_in_dim3A_354 = vector.broadcast %jit3A_353 : f32 to vector<16xf32>
      %select_n3A_355 = arith.select %lt3A_327, %add3A_352, %broadcast_in_dim3A_354 : vector<16xi1>, vector<16xf32>
      %add3A_356 = arith.addf %while3A_168#6, %select_n3A_355 : vector<16xf32>
      %lt3A_357 = arith.constant 7 : i32
      %lt3A_358 = vector.broadcast %lt3A_357 : i32 to vector<16xi32>
      %lt3A_359 = arith.cmpi slt, %iota3A, %lt3A_358 : vector<16xi32>
      %sub3A_360 = arith.subf %gather3A_126, %get3A_95 : vector<16xf32>
      %abs3A_361 = math.absf %sub3A_360 : vector<16xf32>
      %neg3A_362 = arith.constant 0.000000e+00 : f32
      %neg3A_363 = vector.broadcast %neg3A_362 : f32 to vector<16xf32>
      %neg3A_364 = arith.subf %neg3A_363, %abs3A_361 : vector<16xf32>
      %exp3A_365 = math.exp %neg3A_364 : vector<16xf32>
      %mul3A_366 = arith.constant -0.0738987624 : f32
      %mul3A_367 = vector.broadcast %mul3A_366 : f32 to vector<16xf32>
      %mul3A_368 = arith.mulf %mul3A_367, %exp3A_365 : vector<16xf32>
      %add3A_369 = arith.constant 0.251874179 : f32
      %add3A_370 = vector.broadcast %add3A_369 : f32 to vector<16xf32>
      %add3A_371 = arith.addf %mul3A_368, %add3A_370 : vector<16xf32>
      %mul3A_372 = arith.mulf %add3A_371, %exp3A_365 : vector<16xf32>
      %add3A_373 = arith.constant -0.484635174 : f32
      %add3A_374 = vector.broadcast %add3A_373 : f32 to vector<16xf32>
      %add3A_375 = arith.addf %mul3A_372, %add3A_374 : vector<16xf32>
      %mul3A_376 = arith.mulf %add3A_375, %exp3A_365 : vector<16xf32>
      %add3A_377 = arith.constant 0.999301254 : f32
      %add3A_378 = vector.broadcast %add3A_377 : f32 to vector<16xf32>
      %add3A_379 = arith.addf %mul3A_376, %add3A_378 : vector<16xf32>
      %max3A_380 = arith.constant 0.000000e+00 : f32
      %max3A_381 = vector.broadcast %max3A_380 : f32 to vector<16xf32>
      %max3A_382 = arith.maximumf %sub3A_360, %max3A_381 : vector<16xf32>
      %mul3A_383 = arith.mulf %exp3A_365, %add3A_379 : vector<16xf32>
      %add3A_384 = arith.addf %max3A_382, %mul3A_383 : vector<16xf32>
      %jit3A_385 = arith.constant 0.000000e+00 : f32
      %broadcast_in_dim3A_386 = vector.broadcast %jit3A_385 : f32 to vector<16xf32>
      %select_n3A_387 = arith.select %lt3A_359, %add3A_384, %broadcast_in_dim3A_386 : vector<16xi1>, vector<16xf32>
      %add3A_388 = arith.addf %while3A_168#7, %select_n3A_387 : vector<16xf32>
      %lt3A_389 = arith.constant 8 : i32
      %lt3A_390 = vector.broadcast %lt3A_389 : i32 to vector<16xi32>
      %lt3A_391 = arith.cmpi slt, %iota3A, %lt3A_390 : vector<16xi32>
      %sub3A_392 = arith.subf %gather3A_130, %get3A_95 : vector<16xf32>
      %abs3A_393 = math.absf %sub3A_392 : vector<16xf32>
      %neg3A_394 = arith.constant 0.000000e+00 : f32
      %neg3A_395 = vector.broadcast %neg3A_394 : f32 to vector<16xf32>
      %neg3A_396 = arith.subf %neg3A_395, %abs3A_393 : vector<16xf32>
      %exp3A_397 = math.exp %neg3A_396 : vector<16xf32>
      %mul3A_398 = arith.constant -0.0738987624 : f32
      %mul3A_399 = vector.broadcast %mul3A_398 : f32 to vector<16xf32>
      %mul3A_400 = arith.mulf %mul3A_399, %exp3A_397 : vector<16xf32>
      %add3A_401 = arith.constant 0.251874179 : f32
      %add3A_402 = vector.broadcast %add3A_401 : f32 to vector<16xf32>
      %add3A_403 = arith.addf %mul3A_400, %add3A_402 : vector<16xf32>
      %mul3A_404 = arith.mulf %add3A_403, %exp3A_397 : vector<16xf32>
      %add3A_405 = arith.constant -0.484635174 : f32
      %add3A_406 = vector.broadcast %add3A_405 : f32 to vector<16xf32>
      %add3A_407 = arith.addf %mul3A_404, %add3A_406 : vector<16xf32>
      %mul3A_408 = arith.mulf %add3A_407, %exp3A_397 : vector<16xf32>
      %add3A_409 = arith.constant 0.999301254 : f32
      %add3A_410 = vector.broadcast %add3A_409 : f32 to vector<16xf32>
      %add3A_411 = arith.addf %mul3A_408, %add3A_410 : vector<16xf32>
      %max3A_412 = arith.constant 0.000000e+00 : f32
      %max3A_413 = vector.broadcast %max3A_412 : f32 to vector<16xf32>
      %max3A_414 = arith.maximumf %sub3A_392, %max3A_413 : vector<16xf32>
      %mul3A_415 = arith.mulf %exp3A_397, %add3A_411 : vector<16xf32>
      %add3A_416 = arith.addf %max3A_414, %mul3A_415 : vector<16xf32>
      %jit3A_417 = arith.constant 0.000000e+00 : f32
      %broadcast_in_dim3A_418 = vector.broadcast %jit3A_417 : f32 to vector<16xf32>
      %select_n3A_419 = arith.select %lt3A_391, %add3A_416, %broadcast_in_dim3A_418 : vector<16xi1>, vector<16xf32>
      %add3A_420 = arith.addf %while3A_168#0, %select_n3A_419 : vector<16xf32>
      %lt3A_421 = arith.constant 9 : i32
      %lt3A_422 = vector.broadcast %lt3A_421 : i32 to vector<16xi32>
      %lt3A_423 = arith.cmpi slt, %iota3A, %lt3A_422 : vector<16xi32>
      %sub3A_424 = arith.subf %gather3A_134, %get3A_95 : vector<16xf32>
      %abs3A_425 = math.absf %sub3A_424 : vector<16xf32>
      %neg3A_426 = arith.constant 0.000000e+00 : f32
      %neg3A_427 = vector.broadcast %neg3A_426 : f32 to vector<16xf32>
      %neg3A_428 = arith.subf %neg3A_427, %abs3A_425 : vector<16xf32>
      %exp3A_429 = math.exp %neg3A_428 : vector<16xf32>
      %mul3A_430 = arith.constant -0.0738987624 : f32
      %mul3A_431 = vector.broadcast %mul3A_430 : f32 to vector<16xf32>
      %mul3A_432 = arith.mulf %mul3A_431, %exp3A_429 : vector<16xf32>
      %add3A_433 = arith.constant 0.251874179 : f32
      %add3A_434 = vector.broadcast %add3A_433 : f32 to vector<16xf32>
      %add3A_435 = arith.addf %mul3A_432, %add3A_434 : vector<16xf32>
      %mul3A_436 = arith.mulf %add3A_435, %exp3A_429 : vector<16xf32>
      %add3A_437 = arith.constant -0.484635174 : f32
      %add3A_438 = vector.broadcast %add3A_437 : f32 to vector<16xf32>
      %add3A_439 = arith.addf %mul3A_436, %add3A_438 : vector<16xf32>
      %mul3A_440 = arith.mulf %add3A_439, %exp3A_429 : vector<16xf32>
      %add3A_441 = arith.constant 0.999301254 : f32
      %add3A_442 = vector.broadcast %add3A_441 : f32 to vector<16xf32>
      %add3A_443 = arith.addf %mul3A_440, %add3A_442 : vector<16xf32>
      %max3A_444 = arith.constant 0.000000e+00 : f32
      %max3A_445 = vector.broadcast %max3A_444 : f32 to vector<16xf32>
      %max3A_446 = arith.maximumf %sub3A_424, %max3A_445 : vector<16xf32>
      %mul3A_447 = arith.mulf %exp3A_429, %add3A_443 : vector<16xf32>
      %add3A_448 = arith.addf %max3A_446, %mul3A_447 : vector<16xf32>
      %jit3A_449 = arith.constant 0.000000e+00 : f32
      %broadcast_in_dim3A_450 = vector.broadcast %jit3A_449 : f32 to vector<16xf32>
      %select_n3A_451 = arith.select %lt3A_423, %add3A_448, %broadcast_in_dim3A_450 : vector<16xi1>, vector<16xf32>
      %add3A_452 = arith.addf %add3A_196, %select_n3A_451 : vector<16xf32>
      %lt3A_453 = arith.constant 10 : i32
      %lt3A_454 = vector.broadcast %lt3A_453 : i32 to vector<16xi32>
      %lt3A_455 = arith.cmpi slt, %iota3A, %lt3A_454 : vector<16xi32>
      %sub3A_456 = arith.subf %gather3A_138, %get3A_95 : vector<16xf32>
      %abs3A_457 = math.absf %sub3A_456 : vector<16xf32>
      %neg3A_458 = arith.constant 0.000000e+00 : f32
      %neg3A_459 = vector.broadcast %neg3A_458 : f32 to vector<16xf32>
      %neg3A_460 = arith.subf %neg3A_459, %abs3A_457 : vector<16xf32>
      %exp3A_461 = math.exp %neg3A_460 : vector<16xf32>
      %mul3A_462 = arith.constant -0.0738987624 : f32
      %mul3A_463 = vector.broadcast %mul3A_462 : f32 to vector<16xf32>
      %mul3A_464 = arith.mulf %mul3A_463, %exp3A_461 : vector<16xf32>
      %add3A_465 = arith.constant 0.251874179 : f32
      %add3A_466 = vector.broadcast %add3A_465 : f32 to vector<16xf32>
      %add3A_467 = arith.addf %mul3A_464, %add3A_466 : vector<16xf32>
      %mul3A_468 = arith.mulf %add3A_467, %exp3A_461 : vector<16xf32>
      %add3A_469 = arith.constant -0.484635174 : f32
      %add3A_470 = vector.broadcast %add3A_469 : f32 to vector<16xf32>
      %add3A_471 = arith.addf %mul3A_468, %add3A_470 : vector<16xf32>
      %mul3A_472 = arith.mulf %add3A_471, %exp3A_461 : vector<16xf32>
      %add3A_473 = arith.constant 0.999301254 : f32
      %add3A_474 = vector.broadcast %add3A_473 : f32 to vector<16xf32>
      %add3A_475 = arith.addf %mul3A_472, %add3A_474 : vector<16xf32>
      %max3A_476 = arith.constant 0.000000e+00 : f32
      %max3A_477 = vector.broadcast %max3A_476 : f32 to vector<16xf32>
      %max3A_478 = arith.maximumf %sub3A_456, %max3A_477 : vector<16xf32>
      %mul3A_479 = arith.mulf %exp3A_461, %add3A_475 : vector<16xf32>
      %add3A_480 = arith.addf %max3A_478, %mul3A_479 : vector<16xf32>
      %jit3A_481 = arith.constant 0.000000e+00 : f32
      %broadcast_in_dim3A_482 = vector.broadcast %jit3A_481 : f32 to vector<16xf32>
      %select_n3A_483 = arith.select %lt3A_455, %add3A_480, %broadcast_in_dim3A_482 : vector<16xi1>, vector<16xf32>
      %add3A_484 = arith.addf %add3A_228, %select_n3A_483 : vector<16xf32>
      %lt3A_485 = arith.constant 11 : i32
      %lt3A_486 = vector.broadcast %lt3A_485 : i32 to vector<16xi32>
      %lt3A_487 = arith.cmpi slt, %iota3A, %lt3A_486 : vector<16xi32>
      %sub3A_488 = arith.subf %gather3A_142, %get3A_95 : vector<16xf32>
      %abs3A_489 = math.absf %sub3A_488 : vector<16xf32>
      %neg3A_490 = arith.constant 0.000000e+00 : f32
      %neg3A_491 = vector.broadcast %neg3A_490 : f32 to vector<16xf32>
      %neg3A_492 = arith.subf %neg3A_491, %abs3A_489 : vector<16xf32>
      %exp3A_493 = math.exp %neg3A_492 : vector<16xf32>
      %mul3A_494 = arith.constant -0.0738987624 : f32
      %mul3A_495 = vector.broadcast %mul3A_494 : f32 to vector<16xf32>
      %mul3A_496 = arith.mulf %mul3A_495, %exp3A_493 : vector<16xf32>
      %add3A_497 = arith.constant 0.251874179 : f32
      %add3A_498 = vector.broadcast %add3A_497 : f32 to vector<16xf32>
      %add3A_499 = arith.addf %mul3A_496, %add3A_498 : vector<16xf32>
      %mul3A_500 = arith.mulf %add3A_499, %exp3A_493 : vector<16xf32>
      %add3A_501 = arith.constant -0.484635174 : f32
      %add3A_502 = vector.broadcast %add3A_501 : f32 to vector<16xf32>
      %add3A_503 = arith.addf %mul3A_500, %add3A_502 : vector<16xf32>
      %mul3A_504 = arith.mulf %add3A_503, %exp3A_493 : vector<16xf32>
      %add3A_505 = arith.constant 0.999301254 : f32
      %add3A_506 = vector.broadcast %add3A_505 : f32 to vector<16xf32>
      %add3A_507 = arith.addf %mul3A_504, %add3A_506 : vector<16xf32>
      %max3A_508 = arith.constant 0.000000e+00 : f32
      %max3A_509 = vector.broadcast %max3A_508 : f32 to vector<16xf32>
      %max3A_510 = arith.maximumf %sub3A_488, %max3A_509 : vector<16xf32>
      %mul3A_511 = arith.mulf %exp3A_493, %add3A_507 : vector<16xf32>
      %add3A_512 = arith.addf %max3A_510, %mul3A_511 : vector<16xf32>
      %jit3A_513 = arith.constant 0.000000e+00 : f32
      %broadcast_in_dim3A_514 = vector.broadcast %jit3A_513 : f32 to vector<16xf32>
      %select_n3A_515 = arith.select %lt3A_487, %add3A_512, %broadcast_in_dim3A_514 : vector<16xi1>, vector<16xf32>
      %add3A_516 = arith.addf %add3A_260, %select_n3A_515 : vector<16xf32>
      %lt3A_517 = arith.constant 12 : i32
      %lt3A_518 = vector.broadcast %lt3A_517 : i32 to vector<16xi32>
      %lt3A_519 = arith.cmpi slt, %iota3A, %lt3A_518 : vector<16xi32>
      %sub3A_520 = arith.subf %gather3A_146, %get3A_95 : vector<16xf32>
      %abs3A_521 = math.absf %sub3A_520 : vector<16xf32>
      %neg3A_522 = arith.constant 0.000000e+00 : f32
      %neg3A_523 = vector.broadcast %neg3A_522 : f32 to vector<16xf32>
      %neg3A_524 = arith.subf %neg3A_523, %abs3A_521 : vector<16xf32>
      %exp3A_525 = math.exp %neg3A_524 : vector<16xf32>
      %mul3A_526 = arith.constant -0.0738987624 : f32
      %mul3A_527 = vector.broadcast %mul3A_526 : f32 to vector<16xf32>
      %mul3A_528 = arith.mulf %mul3A_527, %exp3A_525 : vector<16xf32>
      %add3A_529 = arith.constant 0.251874179 : f32
      %add3A_530 = vector.broadcast %add3A_529 : f32 to vector<16xf32>
      %add3A_531 = arith.addf %mul3A_528, %add3A_530 : vector<16xf32>
      %mul3A_532 = arith.mulf %add3A_531, %exp3A_525 : vector<16xf32>
      %add3A_533 = arith.constant -0.484635174 : f32
      %add3A_534 = vector.broadcast %add3A_533 : f32 to vector<16xf32>
      %add3A_535 = arith.addf %mul3A_532, %add3A_534 : vector<16xf32>
      %mul3A_536 = arith.mulf %add3A_535, %exp3A_525 : vector<16xf32>
      %add3A_537 = arith.constant 0.999301254 : f32
      %add3A_538 = vector.broadcast %add3A_537 : f32 to vector<16xf32>
      %add3A_539 = arith.addf %mul3A_536, %add3A_538 : vector<16xf32>
      %max3A_540 = arith.constant 0.000000e+00 : f32
      %max3A_541 = vector.broadcast %max3A_540 : f32 to vector<16xf32>
      %max3A_542 = arith.maximumf %sub3A_520, %max3A_541 : vector<16xf32>
      %mul3A_543 = arith.mulf %exp3A_525, %add3A_539 : vector<16xf32>
      %add3A_544 = arith.addf %max3A_542, %mul3A_543 : vector<16xf32>
      %jit3A_545 = arith.constant 0.000000e+00 : f32
      %broadcast_in_dim3A_546 = vector.broadcast %jit3A_545 : f32 to vector<16xf32>
      %select_n3A_547 = arith.select %lt3A_519, %add3A_544, %broadcast_in_dim3A_546 : vector<16xi1>, vector<16xf32>
      %add3A_548 = arith.addf %add3A_292, %select_n3A_547 : vector<16xf32>
      %lt3A_549 = arith.constant 13 : i32
      %lt3A_550 = vector.broadcast %lt3A_549 : i32 to vector<16xi32>
      %lt3A_551 = arith.cmpi slt, %iota3A, %lt3A_550 : vector<16xi32>
      %sub3A_552 = arith.subf %gather3A_150, %get3A_95 : vector<16xf32>
      %abs3A_553 = math.absf %sub3A_552 : vector<16xf32>
      %neg3A_554 = arith.constant 0.000000e+00 : f32
      %neg3A_555 = vector.broadcast %neg3A_554 : f32 to vector<16xf32>
      %neg3A_556 = arith.subf %neg3A_555, %abs3A_553 : vector<16xf32>
      %exp3A_557 = math.exp %neg3A_556 : vector<16xf32>
      %mul3A_558 = arith.constant -0.0738987624 : f32
      %mul3A_559 = vector.broadcast %mul3A_558 : f32 to vector<16xf32>
      %mul3A_560 = arith.mulf %mul3A_559, %exp3A_557 : vector<16xf32>
      %add3A_561 = arith.constant 0.251874179 : f32
      %add3A_562 = vector.broadcast %add3A_561 : f32 to vector<16xf32>
      %add3A_563 = arith.addf %mul3A_560, %add3A_562 : vector<16xf32>
      %mul3A_564 = arith.mulf %add3A_563, %exp3A_557 : vector<16xf32>
      %add3A_565 = arith.constant -0.484635174 : f32
      %add3A_566 = vector.broadcast %add3A_565 : f32 to vector<16xf32>
      %add3A_567 = arith.addf %mul3A_564, %add3A_566 : vector<16xf32>
      %mul3A_568 = arith.mulf %add3A_567, %exp3A_557 : vector<16xf32>
      %add3A_569 = arith.constant 0.999301254 : f32
      %add3A_570 = vector.broadcast %add3A_569 : f32 to vector<16xf32>
      %add3A_571 = arith.addf %mul3A_568, %add3A_570 : vector<16xf32>
      %max3A_572 = arith.constant 0.000000e+00 : f32
      %max3A_573 = vector.broadcast %max3A_572 : f32 to vector<16xf32>
      %max3A_574 = arith.maximumf %sub3A_552, %max3A_573 : vector<16xf32>
      %mul3A_575 = arith.mulf %exp3A_557, %add3A_571 : vector<16xf32>
      %add3A_576 = arith.addf %max3A_574, %mul3A_575 : vector<16xf32>
      %jit3A_577 = arith.constant 0.000000e+00 : f32
      %broadcast_in_dim3A_578 = vector.broadcast %jit3A_577 : f32 to vector<16xf32>
      %select_n3A_579 = arith.select %lt3A_551, %add3A_576, %broadcast_in_dim3A_578 : vector<16xi1>, vector<16xf32>
      %add3A_580 = arith.addf %add3A_324, %select_n3A_579 : vector<16xf32>
      %lt3A_581 = arith.constant 14 : i32
      %lt3A_582 = vector.broadcast %lt3A_581 : i32 to vector<16xi32>
      %lt3A_583 = arith.cmpi slt, %iota3A, %lt3A_582 : vector<16xi32>
      %sub3A_584 = arith.subf %gather3A_154, %get3A_95 : vector<16xf32>
      %abs3A_585 = math.absf %sub3A_584 : vector<16xf32>
      %neg3A_586 = arith.constant 0.000000e+00 : f32
      %neg3A_587 = vector.broadcast %neg3A_586 : f32 to vector<16xf32>
      %neg3A_588 = arith.subf %neg3A_587, %abs3A_585 : vector<16xf32>
      %exp3A_589 = math.exp %neg3A_588 : vector<16xf32>
      %mul3A_590 = arith.constant -0.0738987624 : f32
      %mul3A_591 = vector.broadcast %mul3A_590 : f32 to vector<16xf32>
      %mul3A_592 = arith.mulf %mul3A_591, %exp3A_589 : vector<16xf32>
      %add3A_593 = arith.constant 0.251874179 : f32
      %add3A_594 = vector.broadcast %add3A_593 : f32 to vector<16xf32>
      %add3A_595 = arith.addf %mul3A_592, %add3A_594 : vector<16xf32>
      %mul3A_596 = arith.mulf %add3A_595, %exp3A_589 : vector<16xf32>
      %add3A_597 = arith.constant -0.484635174 : f32
      %add3A_598 = vector.broadcast %add3A_597 : f32 to vector<16xf32>
      %add3A_599 = arith.addf %mul3A_596, %add3A_598 : vector<16xf32>
      %mul3A_600 = arith.mulf %add3A_599, %exp3A_589 : vector<16xf32>
      %add3A_601 = arith.constant 0.999301254 : f32
      %add3A_602 = vector.broadcast %add3A_601 : f32 to vector<16xf32>
      %add3A_603 = arith.addf %mul3A_600, %add3A_602 : vector<16xf32>
      %max3A_604 = arith.constant 0.000000e+00 : f32
      %max3A_605 = vector.broadcast %max3A_604 : f32 to vector<16xf32>
      %max3A_606 = arith.maximumf %sub3A_584, %max3A_605 : vector<16xf32>
      %mul3A_607 = arith.mulf %exp3A_589, %add3A_603 : vector<16xf32>
      %add3A_608 = arith.addf %max3A_606, %mul3A_607 : vector<16xf32>
      %jit3A_609 = arith.constant 0.000000e+00 : f32
      %broadcast_in_dim3A_610 = vector.broadcast %jit3A_609 : f32 to vector<16xf32>
      %select_n3A_611 = arith.select %lt3A_583, %add3A_608, %broadcast_in_dim3A_610 : vector<16xi1>, vector<16xf32>
      %add3A_612 = arith.addf %add3A_356, %select_n3A_611 : vector<16xf32>
      %lt3A_613 = arith.constant 15 : i32
      %lt3A_614 = vector.broadcast %lt3A_613 : i32 to vector<16xi32>
      %lt3A_615 = arith.cmpi slt, %iota3A, %lt3A_614 : vector<16xi32>
      %sub3A_616 = arith.subf %gather3A_158, %get3A_95 : vector<16xf32>
      %abs3A_617 = math.absf %sub3A_616 : vector<16xf32>
      %neg3A_618 = arith.constant 0.000000e+00 : f32
      %neg3A_619 = vector.broadcast %neg3A_618 : f32 to vector<16xf32>
      %neg3A_620 = arith.subf %neg3A_619, %abs3A_617 : vector<16xf32>
      %exp3A_621 = math.exp %neg3A_620 : vector<16xf32>
      %mul3A_622 = arith.constant -0.0738987624 : f32
      %mul3A_623 = vector.broadcast %mul3A_622 : f32 to vector<16xf32>
      %mul3A_624 = arith.mulf %mul3A_623, %exp3A_621 : vector<16xf32>
      %add3A_625 = arith.constant 0.251874179 : f32
      %add3A_626 = vector.broadcast %add3A_625 : f32 to vector<16xf32>
      %add3A_627 = arith.addf %mul3A_624, %add3A_626 : vector<16xf32>
      %mul3A_628 = arith.mulf %add3A_627, %exp3A_621 : vector<16xf32>
      %add3A_629 = arith.constant -0.484635174 : f32
      %add3A_630 = vector.broadcast %add3A_629 : f32 to vector<16xf32>
      %add3A_631 = arith.addf %mul3A_628, %add3A_630 : vector<16xf32>
      %mul3A_632 = arith.mulf %add3A_631, %exp3A_621 : vector<16xf32>
      %add3A_633 = arith.constant 0.999301254 : f32
      %add3A_634 = vector.broadcast %add3A_633 : f32 to vector<16xf32>
      %add3A_635 = arith.addf %mul3A_632, %add3A_634 : vector<16xf32>
      %max3A_636 = arith.constant 0.000000e+00 : f32
      %max3A_637 = vector.broadcast %max3A_636 : f32 to vector<16xf32>
      %max3A_638 = arith.maximumf %sub3A_616, %max3A_637 : vector<16xf32>
      %mul3A_639 = arith.mulf %exp3A_621, %add3A_635 : vector<16xf32>
      %add3A_640 = arith.addf %max3A_638, %mul3A_639 : vector<16xf32>
      %jit3A_641 = arith.constant 0.000000e+00 : f32
      %broadcast_in_dim3A_642 = vector.broadcast %jit3A_641 : f32 to vector<16xf32>
      %select_n3A_643 = arith.select %lt3A_615, %add3A_640, %broadcast_in_dim3A_642 : vector<16xi1>, vector<16xf32>
      %add3A_644 = arith.addf %add3A_388, %select_n3A_643 : vector<16xf32>
      scf.yield %add3A_420, %add3A_452, %add3A_484, %add3A_516, %add3A_548, %add3A_580, %add3A_612, %add3A_644 : vector<16xf32>, vector<16xf32>, vector<16xf32>, vector<16xf32>, vector<16xf32>, vector<16xf32>, vector<16xf32>, vector<16xf32>
    }
    %scan3A_38 = arith.constant 8 : i32
    %add3A_39 = arith.addf %scan3A_37#0, %scan3A_37#1 : vector<16xf32>
    %add3A_40 = arith.addf %scan3A_37#2, %scan3A_37#3 : vector<16xf32>
    %add3A_41 = arith.addf %add3A_39, %add3A_40 : vector<16xf32>
    %add3A_42 = arith.addf %scan3A_37#4, %scan3A_37#5 : vector<16xf32>
    %add3A_43 = arith.addf %scan3A_37#6, %scan3A_37#7 : vector<16xf32>
    %add3A_44 = arith.addf %add3A_42, %add3A_43 : vector<16xf32>
    %add3A_45 = arith.addf %add3A_41, %add3A_44 : vector<16xf32>
    %broadcast_in_dim3A_46 = arith.constant 0.000000e+00 : f32
    %broadcast_in_dim3A_47 = vector.broadcast %broadcast_in_dim3A_46 : f32 to vector<16xf32>
    %scan3A_48 = arith.constant 0 : i32
    %scan3A_49 = arith.constant 8 : i32
    %scan3A_50 = arith.addi %scan3A_48, %scan3A_49 : i32
    %scan3A_51 = arith.constant 1 : i32
    %scan3A_52 = scf.for %scan3A_64 = %scan3A_48 to %scan3A_50 step %scan3A_51 iter_args(%scan3A_65 = %broadcast_in_dim3A_47) -> (vector<16xf32>)  : i32 {
      %mul3A_66 = arith.constant 128 : i32
      %mul3A_67 = arith.muli %select_n3A_30, %mul3A_66 : i32
      %mul3A_68 = arith.constant 16 : i32
      %mul3A_69 = arith.muli %scan3A_64, %mul3A_68 : i32
      %add3A_70 = arith.addi %mul3A_67, %mul3A_69 : i32
      %get3A = arith.index_cast %add3A_70 : i32 to index
      %get3A_71 = tpu.vector_load %arg4[%get3A] {strides = array<i32>} : memref<256xf32, #tpu.memory_space<vmem>>, vector<16xf32>,
      %get3A_72 = vector.shape_cast %get3A_71 : vector<16xf32> to vector<16xf32>
      %mul3A_73 = arith.mulf %get3A_72, %get3A_72 : vector<16xf32>
      %add3A_74 = arith.addf %scan3A_65, %mul3A_73 : vector<16xf32>
      scf.yield %add3A_74 : vector<16xf32>
    }
    %scan3A_53 = arith.constant 8 : i32
    %mul3A_54 = arith.constant 1.91482854E-6 : f32
    %mul3A_55 = vector.broadcast %mul3A_54 : f32 to vector<16xf32>
    %mul3A_56 = arith.mulf %add3A_45, %mul3A_55 : vector<16xf32>
    %mul3A_57 = arith.constant 2.44140637E-7 : f32
    %mul3A_58 = vector.broadcast %mul3A_57 : f32 to vector<16xf32>
    %mul3A_59 = arith.mulf %scan3A_52, %mul3A_58 : vector<16xf32>
    %add3A_60 = arith.addf %mul3A_56, %mul3A_59 : vector<16xf32>
    %swap3A = arith.constant 0 : index
    %swap3A_61 = tpu.vector_load %arg5[%swap3A] {strides = array<i32>} : memref<16xf32, #tpu.memory_space<vmem>>, vector<16xf32>,
    %swap3A_62 = vector.shape_cast %swap3A_61 : vector<16xf32> to vector<16xf32>
    %swap3A_63 = vector.shape_cast %add3A_60 : vector<16xf32> to vector<16xf32>
    tpu.vector_store %arg5[%swap3A], %swap3A_63 {strides = array<i32>} : memref<16xf32, #tpu.memory_space<vmem>>, vector<16xf32>,
    "tpu.region"() ({
      %run_scoped3A = tpu.sem_alloc : memref<!tpu.dma_semaphore, #tpu.memory_space<semaphore_mem>>
      %dma_start3A = arith.constant 0 : i32
      %dma_start3A_64 = tpu.memref_slice %arg3[%add3A, %dma_start3A] : memref<32x16xf32, #tpu.memory_space<hbm>> -> memref<1x16xf32, #tpu.memory_space<hbm>>
      %dma_start3A_65 = tpu.memref_squeeze %dma_start3A_64 : memref<1x16xf32, #tpu.memory_space<hbm>> -> memref<16xf32, #tpu.memory_space<hbm>>
      %dma_start3A_66 = arith.constant 0 : i32
      %dma_start3A_67 = tpu.memref_slice %arg3[%add3A, %dma_start3A_66] : memref<32x16xf32, #tpu.memory_space<hbm>> -> memref<1x16xf32, #tpu.memory_space<hbm>>
      %dma_start3A_68 = tpu.memref_squeeze %dma_start3A_67 : memref<1x16xf32, #tpu.memory_space<hbm>> -> memref<16xf32, #tpu.memory_space<hbm>>
      tpu.enqueue_dma source(%arg5 : memref<16xf32, #tpu.memory_space<vmem>>) target(%dma_start3A_68 : memref<16xf32, #tpu.memory_space<hbm>>) target_semaphore(%run_scoped3A : memref<!tpu.dma_semaphore, #tpu.memory_space<semaphore_mem>>)
      %dma_wait3A = arith.constant 0 : i32
      %dma_wait3A_69 = tpu.memref_slice %arg3[%add3A, %dma_wait3A] : memref<32x16xf32, #tpu.memory_space<hbm>> -> memref<1x16xf32, #tpu.memory_space<hbm>>
      %dma_wait3A_70 = tpu.memref_squeeze %dma_wait3A_69 : memref<1x16xf32, #tpu.memory_space<hbm>> -> memref<16xf32, #tpu.memory_space<hbm>>
      %dma_wait3A_71 = arith.constant 0 : i32
      %dma_wait3A_72 = tpu.memref_slice %arg3[%add3A, %dma_wait3A_71] : memref<32x16xf32, #tpu.memory_space<hbm>> -> memref<1x16xf32, #tpu.memory_space<hbm>>
      %dma_wait3A_73 = tpu.memref_squeeze %dma_wait3A_72 : memref<1x16xf32, #tpu.memory_space<hbm>> -> memref<16xf32, #tpu.memory_space<hbm>>
      tpu.wait_dma2 semaphore(%run_scoped3A : memref<!tpu.dma_semaphore, #tpu.memory_space<semaphore_mem>>) src(%arg5 : memref<16xf32, #tpu.memory_space<vmem>>) dst(%dma_wait3A_73 : memref<16xf32, #tpu.memory_space<hbm>>)
      tpu.yield
    }) : () -> ()
    return
  }
}

</mosaic_0001>

<sc_bundles>
// kernel: kernel.3.cloned.1.call-start
scs
__scs_entry_jumppad:
0x0: {  	(pc) =	sbr.rel $0x88, $3  }
0x1: {  	(tag) =	ssettag $0x0;
	lr =	simm.s32 $0x1  }
0x2: {  	[smem:$0x3FA0] =	sst lr;
	_ =	strace $0xD0000000  }
0x3: {  	_ = 	snop  }
0x4: {  	_ = 	snop  }
0x5: {  	_ = 	snop  }
0x6: {  	_ = 	snop  }
0x7: {  	_ = 	snop  }
__scs_overlays_trampoline_lowered:
0x8: {  	[smem:$0x3FAF] =	sst s0  }
0x9: {  	[smem:$0x3FB0] =	sst s1  }
0xa: {  	[smem:$0x3FB1] =	sst s2  }
0xb: {  	[smem:$0x3FB2] =	sst s3  }
0xc: {  	[smem:$0x3FB3] =	sst s4  }
0xd: {  	[smem:$0x3FB4] =	sst s5  }
0xe: {  	[smem:$0x3FB5] =	sst s6  }
0xf: {  	[smem:$0x3FB6] =	sst s7  }
0x10: {  	[smem:$0x3FB7] =	sst s8  }
0x11: {  	[smem:$0x3FB8] =	sst s9;
	s0 =	simm.s32 @!p0 $0x0  }
0x12: {  	s1 =	sld [smem:$0x3F9E];
	s0 =	simm.s32 @p0 $0x1  }
0x13: {  	[smem:$0x3FB9] =	sst s0;
	s0 =	simm.s32 @!p1 $0x0  }
0x14: {  	s2 =	sld [smem:$0x3F9D];
	s0 =	simm.s32 @p1 $0x1  }
0x15: {  	[smem:$0x3FBA] =	sst s0;
	s0 =	simm.s32 @!p2 $0x0  }
0x16: {  	s3 =	sld [smem:$0x3FDB];
	s0 =	simm.s32 @p2 $0x1  }
0x17: {  	s4 =	simm.s32 $0x1BF5;
	[smem:$0x3FBC] =	sst s0  }
0x18: {  	s0 =	sld [smem:$0x3F9F];
	_ =	swait.ge [sflag:s4], $0x0  }
0x19: {  	s7 =	sld [smem:$0x3FA0]  }
0x1a: {  	s8 =	sadd.s32 $0xFFFFE003, lr  }
0x1b: {  	s9 =	sadd.s32 $0xFFFFFEF7, lr;
	s5 =	simm.s32 $0xFFFFFFFF;
	p2 =	slt.u32 s8, $0xFFFFF086  }
0x1c: {  	p1 =	slt.u32 s9, $0xF7A;
	s5 =	simm.s32 @!p2 $0x0  }
0x1d: {  	s5 =	simm.s32 @p1 $0x1;
	p0 =	seq.s32 s7, s2  }
0x1e: {  	s7 =	smul.u32 @!p0 $0xF7A, s2;
	p2 =	seq.s32 @!p0 s5, $0x0  }
0x1f: {  	s9 =	smul.u32 $0xF7A, s1;
	s8 =	simm.s32 @!p0 $0x1BF5;
	p2 =	por !p2, p0  }
0x20: {  	[sflag:s8] =	ssyncset.s32 @!p0 $0xFFFFF086;
	s6 =	sadd.s32 @!p0 s3, s7;
	s7 =	simm.s32 @!p0 $0x108  }
0x21: {  	s3 =	sadd.s32 s3, s9;
	s6 =	sadd.s32 @!p0 $0x88, s6;
	s7 =	simm.s32 @p2 $0x1082  }
0x22: {  	[simem:s7], [sflag:s8] =	dma.local @!p0 [hbm:s6], $0xF7A  }
0x23: {  	s9 =	sor.u32 $0xD0000000, s2;
	s6 =	simm.s32 $0x108;
	_ =	swait.ge @!p0 [sflag:s8], $0x0  }
0x24: {  	s3 =	sadd.s32 $0x88, s3;
	s6 =	simm.s32 @!p1 $0x1082;
	[sflag:s4] =	ssyncset.s32 $0xFFFFF086  }
0x25: {  	[simem:s6], [sflag:s4] =	dma.local [hbm:s3], $0xF7A  }
0x26: {  	[smem:$0x3FA0] =	sst s1;
	(tag) =	ssettag s2;
	_ =	strace s9  }
0x27: {  	s1 =	sld [smem:$0x3FB0]  }
0x28: {  	s2 =	sld [smem:$0x3FB1]  }
0x29: {  	s4 =	sld [smem:$0x3FB3]  }
0x2a: {  	p0 =	seq.s32 s5, $0x0;
	s5 =	sld [smem:$0x3FB4]  }
0x2b: {  	s6 =	sld [smem:$0x3FB5]  }
0x2c: {  	s7 =	sld [smem:$0x3FB6]  }
0x2d: {  	s3 =	simm.s32 $0x108;
	s8 =	sld [smem:$0x3FB7]  }
0x2e: {  	s3 =	simm.s32 @!p0 $0x1082;
	s9 =	sld [smem:$0x3FB8]  }
0x2f: {  	lr =	sadd.s32 s0, s3;
	s0 =	sld [smem:$0x3FAF]  }
0x30: {  	s3 =	sld [smem:$0x3FB2]  }
0x31: {  	[smem:$0x3FBB] =	sst s10  }
0x32: {  	s10 =	sld [smem:$0x3FB9];
	_ =	sdelay $0x3  }
0x33: {  	p0 =	seq.s32 s10, $0x1;
	s10 =	sld [smem:$0x3FBB];
	_ =	sdelay $0x3  }
0x34: {  	[smem:$0x3FBB] =	sst s10  }
0x35: {  	s10 =	sld [smem:$0x3FBA];
	_ =	sdelay $0x3  }
0x36: {  	p1 =	seq.s32 s10, $0x1;
	s10 =	sld [smem:$0x3FBB];
	_ =	sdelay $0x3  }
0x37: {  	[smem:$0x3FBB] =	sst s10  }
0x38: {  	s10 =	sld [smem:$0x3FBC]  }
0x39: {  	_ = 	snop;
	(pc) =	sbr.ind lr, $3  }
0x3a: {  	_ = 	snop  }
0x3b: {  	_ = 	snop  }
0x3c: {  	p2 =	seq.s32 s10, $0x1;
	s10 =	sld [smem:$0x3FBB]  }
0x3d: {  	_ =	shalt  }
0x3e: {  	_ =	shalt  }
0x3f: {  	_ =	shalt  }
0x40: {  	_ =	shalt  }
0x41: {  	_ =	shalt  }
0x42: {  	_ =	shalt  }
0x43: {  	_ =	shalt  }
0x44: {  	_ =	shalt  }
0x45: {  	_ =	shalt  }
0x46: {  	_ =	shalt  }
0x47: {  	_ =	shalt  }
0x48: {  	_ =	shalt  }
0x49: {  	_ =	shalt  }
0x4a: {  	_ =	shalt  }
0x4b: {  	_ =	shalt  }
0x4c: {  	_ =	shalt  }
0x4d: {  	_ =	shalt  }
0x4e: {  	_ =	shalt  }
0x4f: {  	_ =	shalt  }
0x50: {  	_ =	shalt  }
0x51: {  	_ =	shalt  }
0x52: {  	_ =	shalt  }
0x53: {  	_ =	shalt  }
0x54: {  	_ =	shalt  }
0x55: {  	_ =	shalt  }
0x56: {  	_ =	shalt  }
0x57: {  	_ =	shalt  }
0x58: {  	_ =	shalt  }
0x59: {  	_ =	shalt  }
0x5a: {  	_ =	shalt  }
0x5b: {  	_ =	shalt  }
0x5c: {  	_ =	shalt  }
0x5d: {  	_ =	shalt  }
0x5e: {  	_ =	shalt  }
0x5f: {  	_ =	shalt  }
0x60: {  	_ =	shalt  }
0x61: {  	_ =	shalt  }
0x62: {  	_ =	shalt  }
0x63: {  	_ =	shalt  }
0x64: {  	_ =	shalt  }
0x65: {  	_ =	shalt  }
0x66: {  	_ =	shalt  }
0x67: {  	_ =	shalt  }
0x68: {  	_ =	shalt  }
0x69: {  	_ =	shalt  }
0x6a: {  	_ =	shalt  }
0x6b: {  	_ =	shalt  }
0x6c: {  	_ =	shalt  }
0x6d: {  	_ =	shalt  }
0x6e: {  	_ =	shalt  }
0x6f: {  	_ =	shalt  }
0x70: {  	_ =	shalt  }
0x71: {  	_ =	shalt  }
0x72: {  	_ =	shalt  }
0x73: {  	_ =	shalt  }
0x74: {  	_ =	shalt  }
0x75: {  	_ =	shalt  }
0x76: {  	_ =	shalt  }
0x77: {  	_ =	shalt  }
0x78: {  	_ =	shalt  }
0x79: {  	_ =	shalt  }
0x7a: {  	_ =	shalt  }
0x7b: {  	_ =	shalt  }
0x7c: {  	_ =	shalt  }
0x7d: {  	_ =	shalt  }
0x7e: {  	_ =	shalt  }
0x7f: {  	_ =	shalt  }
0x80: {  	_ =	shalt  }
0x81: {  	_ =	shalt  }
0x82: {  	_ =	shalt  }
0x83: {  	_ =	shalt  }
0x84: {  	_ =	shalt  }
0x85: {  	_ =	shalt  }
0x86: {  	_ =	shalt  }
0x87: {  	_ =	shalt  }
.Lfunc_end0:
.L_simem_size_0:
called_computation_lowered:
.L_overlay_start_0:
0x88: {  	s2 =	sld [smem:$0x3FD9]  }
0x89: {  	s3 =	sld [smem:$0x3FFE];
	_ =	sdelay $0x1  }
0x8a: {  	s1 =	srdreg.scid  }
0x8b: {  	s0 =	sand.u32 $0x1, s1  }
0x8c: {  	s17 =	sshll.u32 s0, $0xA;
	s2 =	sadd.s32 s3, s2  }
0x8d: {  	s2 =	sadd.s32 s2, s17  }
0x8e: {  	[smem:$0x3FC7] =	sst s2  }
0x8f: {  	_ = 	snop  }
0x90: {  	s2 =	sld [smem:$0x3FC9];
	(tm) =	ssettm $0x1  }
0x91: {  	s18 =	sld [smem:$0x3FFB];
	_ =	sdelay $0x3  }
0x92: {  	_ =	strace s18  }
0x93: {  	s3 =	sld [smem:$0x3FFC];
	_ =	sdelay $0x3  }
0x94: {  	_ =	strace s3  }
0x95: {  	s3 =	sld [smem:$0x3FFD];
	_ =	sdelay $0x3  }
0x96: {  	_ =	strace s3  }
0x97: {  	_ =	strace $0x8FFFFFFF  }
0x98: {  	s19 =	sld [smem:$0x3FDB];
	_ =	sdelay $0x1  }
0x99: {  	s4 =	simm.s32 $_scs_section_size  }
0x9a: {  	s5 =	simm.s32 $_size__tile_overlayer_lowered;
	s6 =	simm.s32 $_tile_overlayer_lowered  }
0x9b: {  	s22 =	simm.s32 $0x1BFF;
	s21 =	sshll.u32 s6, $0x1;
	s3 =	sadd.s32 s4, s19  }
0x9c: {  	s7 =	simm.s32 $0x0;
	s20 =	sshll.u32 s5, $0x1;
	s5 =	sadd.s32 s21, s3  }
0x9d: {  	[timem:s7], [sflag:s22] =	dma.local [hbm:s5], s20  }
0x9e: {  	_ =	swait.ge [sflag:s22], s20  }
0x9f: {  	s4 =	ssub.s32 $0x0, s20;
	[sflag:s22] =	ssyncset.done $0x0  }
0xa0: {  	[sflag:s22] =	ssyncadd.s32 s4;
	_ =	sdelay $0x1  }
0xa1: {  	s23 =	simm.s32 $0x1B8B  }
0xa2: {  	_ =	swait.ge [sflag:s23], $0x1  }
0xa3: {  	[sflag:s23] =	ssyncset.done $0x0  }
0xa4: {  	s25 =	simm.s32 $0x1B8E;
	s24 =	sld [smem:$0x3FFE];
	[sflag:s23] =	ssyncadd.s32 $0xFFFFFFFF  }
0xa5: {  	s26 =	simm.s32 $execute0_lowered;
	[smem:$0x3FD2] =	sst s25  }
0xa6: {  	s5 =	sshll.u32 s26, $0x1;
	_ =	strace $0x80000046;
	[dreg:$0x1] =	wrdreg $0xFFFFFFFF  }
0xa7: {  	s28 =	simm.s32 $_size_execute0_lowered;
	s3 =	sadd.s32 s3, s5;
	[dreg:$0x0] =	wrdreg $0x0  }
0xa8: {  	s5 =	sshll.u32 s28, $0x1;
	[dreg:$0x2] =	wrdreg s3  }
0xa9: {  	[dreg:$0x3] =	wrdreg s5  }
0xaa: {  	[dreg:$0x4] =	wrdreg $0xC0  }
0xab: {  	_ =	task [dreg:s7], $0x5FFFF  }
0xac: {  	[dreg:$0x1] =	wrdreg $0xFFFFFFFF  }
0xad: {  	[dreg:$0x0] =	wrdreg $0x60  }
0xae: {  	[dreg:$0x2] =	wrdreg s2  }
0xaf: {  	[dreg:$0x3] =	wrdreg s24  }
0xb0: {  	[dreg:$0x4] =	wrdreg $0x9  }
0xb1: {  	_ =	task.clear_ibuf [dreg:s7], $0x5FFFF;
	_ =	strace $0x90000046  }
0xb2: {  	s29 =	simm.s32 $0x9;
	_ =	strace $0x80000048  }
0xb3: {  	_ =	swait.ge [sflag:s29], $0x1  }
0xb4: {  	[sflag:s29] =	ssyncadd.s32 $0xFFFFFFFF  }
0xb5: {  	_ =	strace $0x90000048  }
0xb6: {  	_ =	sfence  }
0xb7: {  	s30 =	sld [smem:$0x0];
	_ =	sdelay $0x2  }
0xb8: {  	s31 =	sshll.u32 s1, $0xD;
	s1 =	sshrl.u32 s1, $0x2  }
0xb9: {  	s3 =	sand.u32 $0x4000, s31;
	s1 =	sadd.s32 s1, s30  }
0xba: {  	s0 =	sor.u32 s3, s0;
	s1 =	sshll.u32 s1, $0x11  }
0xbb: {  	s0 =	sor.u32 s1, s0  }
0xbc: {  	s0 =	sadd.s32 $0x8F2B, s0  }
0xbd: {  	[sflag:s0] =	ssyncadd.remote.s32 $0x1  }
0xbe: {  	_ =	sfence.sel $0xFFFF  }
0xbf: {  	[dreg:$0x0] =	wrdreg $0xFFFFFFFF;
	(pc) =	sbr.abs _section_cstart, $3  }
0xc0: {  	[dreg:$0x1] =	wrdreg $0xFFFFFFFF  }
0xc1: {  	_ =	task.clear_ibuf [dreg:s7], $0x2FFFF;
	_ =	strace $0x9FFFFFFF  }
0xc2: {  	(tm) =	ssettm $0x7FFFFFFF  }
0xc3: {  	_ =	shalt  }
tec
execute0_lowered:
.L_overlay_start_1:
0x0: {  	(tag) =	ssettag $0x1  }
0x1: {  	s1 =	srdreg.scid;
	s0 =	stileid.u32  }
0x2: {  	s6 =	sand.u32 $0x1, s1;
	s2 =	sshll.u32 s0, $0x1  }
0x3: {  	s5 =	sor.u32 s6, s2  }
0x4: {  	s7 =	rddreg [dreg:$0x0];
	p1 =	seq.s32 s6, $0x1;
	p0 =	seq.s32 s5, $0x0  }
0x5: {  	s8 =	rddreg [dreg:$0x1];
	s3 =	simm.s32 $0x0;
	p0 =	por !p0, !p1  }
0x6: {  	s4 =	simm.s32 $0x1;
	[smem:$0x7FF] =	sst s3;
	p0 =	por !p0, !p0  }
0x7: {  	s2 =	rddreg [dreg:$0x2];
	s9 =	ssub.s32 $0x2, s6;
	s4 =	simm.s32 @!p0 $0x0  }
.Ltmp0:
0x8: {  	vm0 =	vmmov $0x1;
	vm1 =	vmmov $0x3;
	_ =	strace $0x80000047;
	s4 =	ssub.s32 s0, s4;
	(pc) =	sbr.rel .LBB2_1-.Ltmp0, $4  }
0x9: {  	vm2 =	vmmov $0x7;
	vm3 =	vmmov $0xf;
	vm4 =	vmmov $0x1f;
	s6 =	sshll.u32 s6, $0x7;
	s10 =	sshrl.u32 s9, $0x1;
	s31 =	sshll.u32 s4, $0x5  }
0xa: {  	vm5 =	vmmov $0x3f;
	vm6 =	vmmov $0x7f;
	vm7 =	vmmov $0xff;
	s11 =	sshll.u32 s5, $0x4;
	s9 =	ssub.s32 s9, s10;
	s10 =	sand.u32 $0x1FFFFFE0, s31  }
0xb: {  	vm8 =	vmmov $0x1ff;
	vm9 =	vmmov $0x3ff;
	vm10 =	vmmov $0x7ff;
	s4 =	simm.s32 $0x1;
	s5 =	sadd.s32 s7, s10;
	s7 =	sadd.s32 s8, s11  }
0xc: {  	vm11 =	vmmov $0xfff;
	vm12 =	vmmov $0x1fff;
	vm13 =	vmmov $0x3fff;
	s8 =	smax.u32 s9, $0x1;
	s9 =	simm.s32 $0x100;
	s10 =	simm.s32 $0x0  }
.LBB2_7:
0xd: {  	v0 =	vld [tilespmem:s6+$0x0]  }
0xe: {  	v1 =	vld [tilespmem:s6+$0x10];
	_ =	sdelay $0x1  }
0xf: {  	v2 =	vld [tilespmem:s6+$0x20];
	_ =	sdelay $0x1  }
0x10: {  	v3 =	vld [tilespmem:s6+$0x30]  }
0x11: {  	v0 =	vmul.f32 v0, v0;
	v1 =	vmul.f32 v1, v1  }
0x12: {  	v4 =	vld [tilespmem:s6+$0x40]  }
0x13: {  	v54 =	vmul.f32 v2, v2;
	v0 =	vadd.f32 v1, v0  }
0x14: {  	v55 =	vld [tilespmem:s6+$0x50]  }
0x15: {  	v56 =	vmul.f32 v3, v3;
	v0 =	vadd.f32 v54, v0  }
0x16: {  	v58 =	vld [tilespmem:s6+$0x60]  }
0x17: {  	v57 =	vmul.f32 v4, v4;
	v0 =	vadd.f32 v56, v0  }
0x18: {  	v60 =	vld [tilespmem:s6+$0x70]  }
0x19: {  	v61 =	vadd.f32 v45, v17;
	v59 =	vmul.f32 v55, v55;
	v0 =	vadd.f32 v57, v0  }
0x1a: {  	v5 =	vadd.f32 v25, v30;
	v6 =	vadd.f32 v43, v18  }
0x1b: {  	v62 =	vadd.f32 v46, v27;
	v3 =	vmul.f32 v58, v58;
	v0 =	vadd.f32 v59, v0  }
0x1c: {  	v63 =	vadd.f32 v6, v5  }
0x1d: {  	v2 =	vmul.f32 v60, v60;
	v1 =	vadd.f32 v62, v61;
	v0 =	vadd.f32 v3, v0;
	_ =	sdelay $0x1  }
0x1e: {  	v1 =	vadd.f32 v63, v1;
	v0 =	vadd.f32 v2, v0;
	_ =	sdelay $0x1  }
0x1f: {  	v1 =	vmul.f32 $1.914828540e-06, v1;
	v0 =	vmul.f32 $2.441406370e-07, v0;
	_ =	sdelay $0x1  }
0x20: {  	s10 =	sadd.s32 $0x1, s10;
	v0 =	vadd.f32 v0, v1  }
0x21: {  	p0 =	sne.s32 s10, s8  }
.Ltmp1:
0x22: {  	[tilespmem:$0x100] =	vst v0;
	(pc) =	sbr.rel @!p0 .LBB2_8-.Ltmp1, $4  }
0x23: {  	[hbm4b:s7+s3] =	stream.linear.scatter [tilespmem:s9], [sflag:$0x1], $0x80, $0x38;
	[tilespmem:$0x180] =	vst v63  }
0x24: {  	_ =	swait.ge [sflag:s4], $0x80  }
0x25: {  	[sflag:s4] =	ssyncset.done $0x0  }
0x26: {  	[sflag:s4] =	ssyncadd.s32 $0xFFFFFF80  }
.LBB2_1:
.Ltmp2:
0x27: {  	(pc) =	sbr.rel .LBB2_2-.Ltmp2, $4  }
0x28: {  	[tilespmem:s3], [sflag:$0x1] =	stream.linear.gather [hbm4b:s5+s3], $0x100, $0x38;
	[tilespmem:$0x180] =	vst v63  }
0x29: {  	v43 =	vimm.f32 $0.0e+00;
	v18 =	vimm.f32 $0.0e+00;
	_ =	swait.ge [sflag:s4], $0x100  }
0x2a: {  	v25 =	vimm.f32 $0.0e+00;
	v30 =	vimm.f32 $0.0e+00;
	v46 =	vimm.f32 $0.0e+00;
	[sflag:s4] =	ssyncset.done $0x0  }
0x2b: {  	s11 =	simm.s32 $0x0;
	v27 =	vimm.f32 $0.0e+00;
	v45 =	vimm.f32 $0.0e+00;
	v17 =	vimm.f32 $0.0e+00;
	s12 =	simm.s32 $0x0;
	[sflag:s4] =	ssyncadd.s32 $0xFFFFFF00  }
.LBB2_5:
0x2c: {  	v2 =	vadd.f32 v63, v44  }
0x2d: {  	v43 =	vadd.f32 v43, v60;
	v3 =	vadd.f32 v58, v48;
	v0 =	vmul.f32 v0, v56  }
0x2e: {  	v1 =	vmul.f32 v1, v49;
	v4 =	vadd.f32 $9.993012540e-01, v46;
	v45 =	vadd.f32 v59, v45  }
0x2f: {  	v6 =	vadd.f32 $-4.846351740e-01, v61;
	v7 =	vmax.f32 v41, $0.0e+00;
	v0 =	vadd.f32 $-4.846351740e-01, v0  }
0x30: {  	v5 =	vmul.f32 v62, v53;
	v7 =	vadd.f32 v57, v7;
	v2 =	vadd.f32 v2, v17  }
0x31: {  	v3 =	vadd.f32 v3, v25;
	v6 =	vmul.f32 v6, v52;
	v0 =	vmul.f32 v0, v56  }
0x32: {  	v8 =	vmax.f32 v40, $0.0e+00;
	v1 =	vadd.f32 $9.993012540e-01, v1;
	v5 =	vadd.f32 v5, v51  }
0x33: {  	v4 =	vmul.f32 v4, v55;
	v6 =	vadd.f32 $9.993012540e-01, v6;
	v0 =	vadd.f32 $9.993012540e-01, v0  }
0x34: {  	v63 =	vadd.f32 v7, v18;
	v1 =	vmul.f32 v1, v49;
	v5 =	vadd.f32 v5, v27  }
0x35: {  	v4 =	vadd.f32 v4, v50;
	v6 =	vmul.f32 v6, v52;
	v0 =	vmul.f32 v0, v56  }
0x36: {  	v62 =	vmax.f32 v42, $0.0e+00;
	v25 =	vadd.f32 v3, v47;
	v1 =	vadd.f32 v1, v8  }
0x37: {  	v6 =	vadd.f32 v6, v38;
	v0 =	vadd.f32 v0, v62  }
0x38: {  	v21 =	vld [tilespmem:$0x1FFD0];
	v18 =	vadd.f32 v63, v4;
	v17 =	vadd.f32 v2, v1  }
0x39: {  	v37 =	vld [tilespmem:$0x1FFF0];
	v27 =	vadd.f32 v5, v6;
	v46 =	vadd.f32 v54, v0  }
.LBB2_6:
0x3a: {  	_ =	sdelay $0x2  }
0x3b: {  	v0 =	vsub.f32 v39, v21;
	_ =	sdelay $0x1  }
0x3c: {  	v1 =	vand.u32 $0x7FFFFFFF, v0  }
0x3d: {  	v1 =	vsub.f32 $0.0e+00, v1  }
0x3e: {  	v2 =	vsub.f32 v36, v21  }
0x3f: {  	v51 =	vsub.f32 v35, v21;
	v1 =	vmul.f32 $1.442695020e+00, v1  }
0x40: {  	v5 =	vsub.f32 v34, v21;
	v7 =	vsub.f32 v33, v21;
	v50 =	vand.u32 $0x7FFFFFFF, v2  }
0x41: {  	v3 =	vand.u32 $0x7FFFFFFF, v51;
	(erf) = vpow2.f32 v1;
	v1 =	vsub.f32 $0.0e+00, v50  }
0x42: {  	v8 =	vand.u32 $0x7FFFFFFF, v5;
	v3 =	vsub.f32 $0.0e+00, v3  }
0x43: {  	v9 =	vand.u32 $0x7FFFFFFF, v7;
	v8 =	vsub.f32 $0.0e+00, v8;
	v1 =	vmul.f32 $1.442695020e+00, v1  }
0x44: {  	v52 =	vsub.f32 $0.0e+00, v9;
	v3 =	vmul.f32 $1.442695020e+00, v3  }
0x45: {  	v8 =	vmul.f32 $1.442695020e+00, v8;
	(erf) = vpow2.f32 v1  }
0x46: {  	(erf) = vpow2.f32 v3;
	v3 =	vmul.f32 $1.442695020e+00, v52  }
0x47: {  	(erf) = vpow2.f32 v8  }
0x48: {  	(erf) = vpow2.f32 v3;
	_ =	sdelay $0x1  }
0x49: {  	v4 =	vpop (erf)  }
0x4a: {  	v57 =	vsub.f32 v32, v21;
	v15 =	vsub.f32 v29, v21;
	v6 =	vmul.f32 $-7.389876240e-02, v4  }
0x4b: {  	v38 =	vsub.f32 v28, v21;
	v16 =	vsub.f32 v20, v21  }
0x4c: {  	v58 =	vand.u32 $0x7FFFFFFF, v57;
	v0 =	vmax.f32 v0, $0.0e+00;
	v6 =	vadd.f32 $2.518741790e-01, v6  }
0x4d: {  	v2 =	vmax.f32 v2, $0.0e+00;
	v22 =	vand.u32 $0x7FFFFFFF, v15;
	v41 =	vand.u32 $0x7FFFFFFF, v38;
	v53 =	vpop (erf)  }
0x4e: {  	v5 =	vmax.f32 v5, $0.0e+00;
	v6 =	vmul.f32 v6, v4;
	v10 =	vmul.f32 $-7.389876240e-02, v53;
	v59 =	vpop (erf)  }
0x4f: {  	v7 =	vmax.f32 v7, $0.0e+00;
	v44 =	vsub.f32 $0.0e+00, v41;
	v1 =	vmax.f32 v51, $0.0e+00;
	v12 =	vpop (erf)  }
0x50: {  	v11 =	vmul.f32 $-7.389876240e-02, v59;
	v6 =	vadd.f32 $-4.846351740e-01, v6;
	v54 =	vadd.f32 $2.518741790e-01, v10;
	v14 =	vpop (erf)  }
0x51: {  	v10 =	vsub.f32 $0.0e+00, v58;
	v13 =	vmul.f32 $-7.389876240e-02, v12;
	v62 =	vmul.f32 $-7.389876240e-02, v14  }
0x52: {  	v11 =	vadd.f32 $2.518741790e-01, v11;
	v55 =	vmul.f32 v6, v4;
	v56 =	vmul.f32 v54, v53  }
0x53: {  	v60 =	vmul.f32 $1.442695020e+00, v10;
	v10 =	vsub.f32 v31, v21;
	v13 =	vadd.f32 $2.518741790e-01, v13  }
0x54: {  	v54 =	vmax.f32 v57, $0.0e+00;
	v11 =	vmul.f32 v11, v59;
	v9 =	vadd.f32 $2.518741790e-01, v62  }
0x55: {  	v3 =	vadd.f32 $9.993012540e-01, v55;
	v6 =	vadd.f32 $-4.846351740e-01, v56;
	(erf) = vpow2.f32 v60  }
0x56: {  	v61 =	vand.u32 $0x7FFFFFFF, v10;
	v13 =	vmul.f32 v13, v12;
	v60 =	vsub.f32 v19, v21  }
0x57: {  	v19 =	vand.u32 $0x7FFFFFFF, v16;
	v10 =	vmax.f32 v10, $0.0e+00;
	v63 =	vadd.f32 $-4.846351740e-01, v11  }
0x58: {  	v9 =	vmul.f32 v9, v14;
	v19 =	vsub.f32 $0.0e+00, v19;
	v6 =	vmul.f32 v6, v53  }
0x59: {  	v3 =	vmul.f32 v3, v4;
	v11 =	vadd.f32 $-4.846351740e-01, v13;
	v4 =	vmul.f32 $1.442695020e+00, v44  }
0x5a: {  	v20 =	vand.u32 $0x7FFFFFFF, v60;
	v9 =	vadd.f32 $-4.846351740e-01, v9;
	v6 =	vadd.f32 $9.993012540e-01, v6  }
0x5b: {  	v60 =	vmax.f32 v60, $0.0e+00;
	v0 =	vadd.f32 v3, v0;
	v3 =	vsub.f32 $0.0e+00, v61  }
0x5c: {  	v62 =	vsub.f32 $0.0e+00, v20;
	v34 =	vmul.f32 v11, v12;
	v6 =	vmul.f32 v6, v53  }
0x5d: {  	v61 =	vsub.f32 v37, v21;
	v37 =	vmax.f32 v38, $0.0e+00;
	v3 =	vmul.f32 $1.442695020e+00, v3  }
0x5e: {  	v9 =	vmul.f32 v9, v14;
	v39 =	vadd.f32 $9.993012540e-01, v34;
	v2 =	vadd.f32 v6, v2  }
0x5f: {  	(erf) = vpow2.f32 v3;
	v3 =	vsub.f32 $0.0e+00, v22;
	v6 =	vmul.f32 v63, v59  }
0x60: {  	v0 =	vnsel vm0, $0x0, v0;
	v40 =	vadd.f32 $9.993012540e-01, v9;
	v42 =	vmul.f32 v39, v12  }
0x61: {  	v63 =	vmul.f32 $1.442695020e+00, v19;
	v35 =	vpop (erf);
	v32 =	vmul.f32 $1.442695020e+00, v3;
	v33 =	vadd.f32 $9.993012540e-01, v6  }
0x62: {  	v0 =	vadd.f32 v45, v0;
	v36 =	vmul.f32 $-7.389876240e-02, v35;
	v6 =	vmul.f32 v40, v14  }
0x63: {  	v19 =	vand.u32 $0x7FFFFFFF, v61;
	(erf) = vpow2.f32 v32;
	v3 =	vmul.f32 v33, v59  }
0x64: {  	v49 =	vadd.f32 v6, v7;
	(erf) = vpow2.f32 v4;
	v4 =	vsub.f32 v26, v21  }
0x65: {  	v2 =	vnsel vm1, $0x0, v2;
	v1 =	vadd.f32 v3, v1;
	v3 =	vadd.f32 v42, v5  }
0x66: {  	v27 =	vadd.f32 v27, v2;
	v2 =	vadd.f32 $2.518741790e-01, v36;
	v51 =	vand.u32 $0x7FFFFFFF, v4  }
0x67: {  	v48 =	vnsel vm3, $0x0, v3;
	v7 =	vsub.f32 $0.0e+00, v51;
	v3 =	vnsel vm4, $0x0, v49  }
0x68: {  	v19 =	vsub.f32 $0.0e+00, v19;
	v2 =	vmul.f32 v2, v35;
	v45 =	vpop (erf);
	v25 =	vadd.f32 v25, v3  }
0x69: {  	v3 =	vsub.f32 v24, v21;
	v47 =	vmul.f32 $-7.389876240e-02, v45;
	v53 =	vmul.f32 $1.442695020e+00, v7  }
0x6a: {  	v34 =	vmax.f32 v15, $0.0e+00;
	v2 =	vadd.f32 $-4.846351740e-01, v2;
	v7 =	vsub.f32 v23, v21  }
0x6b: {  	v56 =	vand.u32 $0x7FFFFFFF, v3;
	v5 =	vadd.f32 $2.518741790e-01, v47;
	(erf) = vpow2.f32 v53  }
0x6c: {  	v32 =	vmul.f32 $1.442695020e+00, v19;
	v11 =	vsub.f32 $0.0e+00, v56;
	v58 =	vand.u32 $0x7FFFFFFF, v7  }
0x6d: {  	v2 =	vmul.f32 v2, v35;
	v50 =	vpop (erf);
	v14 =	vsub.f32 $0.0e+00, v58;
	v5 =	vmul.f32 v5, v45  }
0x6e: {  	v1 =	vnsel vm2, $0x0, v1;
	v52 =	vmul.f32 $-7.389876240e-02, v50;
	v55 =	vpop (erf);
	v11 =	vmul.f32 $1.442695020e+00, v11  }
0x6f: {  	v26 =	vadd.f32 v46, v1;
	v57 =	vmul.f32 $-7.389876240e-02, v55;
	v14 =	vmul.f32 $1.442695020e+00, v14  }
0x70: {  	v5 =	vadd.f32 $-4.846351740e-01, v5;
	v1 =	vadd.f32 $2.518741790e-01, v52;
	(erf) = vpow2.f32 v11  }
0x71: {  	v11 =	vmul.f32 $1.442695020e+00, v62;
	v59 =	vadd.f32 $2.518741790e-01, v57;
	(erf) = vpow2.f32 v14  }
0x72: {  	v61 =	vmax.f32 v61, $0.0e+00;
	v5 =	vmul.f32 v5, v45;
	v1 =	vmul.f32 v1, v50  }
0x73: {  	v28 =	vadd.f32 v30, v48;
	(erf) = vpow2.f32 v63;
	v9 =	vmul.f32 v59, v55  }
0x74: {  	(erf) = vpow2.f32 v11;
	v5 =	vadd.f32 $9.993012540e-01, v5;
	v1 =	vadd.f32 $-4.846351740e-01, v1;
	v20 =	vpop (erf)  }
0x75: {  	v9 =	vadd.f32 $-4.846351740e-01, v9;
	(erf) = vpow2.f32 v32;
	v22 =	vmul.f32 $-7.389876240e-02, v20  }
0x76: {  	v2 =	vadd.f32 $9.993012540e-01, v2;
	v5 =	vmul.f32 v5, v45;
	v1 =	vmul.f32 v1, v50  }
0x77: {  	v48 =	vmax.f32 v4, $0.0e+00;
	v9 =	vmul.f32 v9, v55;
	v23 =	vadd.f32 $2.518741790e-01, v22  }
0x78: {  	v2 =	vmul.f32 v2, v35;
	v1 =	vadd.f32 $9.993012540e-01, v1;
	v5 =	vadd.f32 v5, v10  }
0x79: {  	v3 =	vmax.f32 v3, $0.0e+00;
	v33 =	vadd.f32 $9.993012540e-01, v9;
	v11 =	vmul.f32 v23, v20  }
0x7a: {  	v2 =	vadd.f32 v2, v54;
	v36 =	vpop (erf);
	v1 =	vmul.f32 v1, v50;
	v5 =	vnsel vm6, $0x0, v5  }
0x7b: {  	v38 =	vmul.f32 $-7.389876240e-02, v36;
	v39 =	vpop (erf);
	v6 =	vmul.f32 v33, v55;
	v35 =	vadd.f32 $-4.846351740e-01, v11  }
0x7c: {  	v5 =	vadd.f32 v43, v5;
	v41 =	vpop (erf);
	v42 =	vmul.f32 $-7.389876240e-02, v39;
	v1 =	vadd.f32 v1, v34  }
0x7d: {  	v9 =	vadd.f32 $2.518741790e-01, v38;
	v43 =	vpop (erf);
	v51 =	vmul.f32 $-7.389876240e-02, v41;
	v10 =	vmul.f32 v35, v20  }
0x7e: {  	v6 =	vadd.f32 v6, v37;
	v50 =	vadd.f32 $2.518741790e-01, v42;
	v53 =	vmul.f32 $-7.389876240e-02, v43  }
0x7f: {  	v1 =	vnsel vm7, $0x0, v1;
	v49 =	vmul.f32 v9, v36;
	v52 =	vpop (erf);
	v40 =	vadd.f32 $9.993012540e-01, v10  }
0x80: {  	v9 =	vadd.f32 $2.518741790e-01, v51;
	v6 =	vnsel vm8, $0x0, v6;
	v15 =	vmul.f32 $-7.389876240e-02, v52  }
0x81: {  	v17 =	vadd.f32 v17, v1;
	v45 =	vadd.f32 v0, v6;
	v1 =	vmul.f32 v40, v20  }
0x82: {  	v7 =	vmax.f32 v7, $0.0e+00;
	v4 =	vadd.f32 $-4.846351740e-01, v49;
	v15 =	vadd.f32 $2.518741790e-01, v15  }
0x83: {  	v6 =	vmul.f32 v50, v39;
	v0 =	vadd.f32 v1, v48;
	v1 =	vadd.f32 $2.518741790e-01, v53  }
0x84: {  	v2 =	vnsel vm5, $0x0, v2;
	v9 =	vmul.f32 v9, v41;
	v55 =	vmul.f32 v15, v52  }
0x85: {  	v4 =	vmul.f32 v4, v36;
	v6 =	vadd.f32 $-4.846351740e-01, v6;
	v54 =	vmul.f32 v1, v43  }
0x86: {  	v9 =	vadd.f32 $-4.846351740e-01, v9;
	v0 =	vnsel vm9, $0x0, v0;
	v1 =	vadd.f32 $-4.846351740e-01, v55  }
0x87: {  	v6 =	vmul.f32 v6, v39;
	v27 =	vadd.f32 v27, v0;
	v0 =	vadd.f32 $-4.846351740e-01, v54  }
0x88: {  	v63 =	vlaneseq.u32;
	v4 =	vadd.f32 $9.993012540e-01, v4;
	v56 =	vmul.f32 v9, v41  }
0x89: {  	v6 =	vadd.f32 $9.993012540e-01, v6;
	v1 =	vmul.f32 v1, v52;
	v0 =	vmul.f32 v0, v43  }
0x8a: {  	v2 =	vadd.f32 v18, v2;
	v4 =	vmul.f32 v4, v36;
	v58 =	vadd.f32 $9.993012540e-01, v56  }
0x8b: {  	v57 =	vmul.f32 v6, v39;
	v1 =	vadd.f32 $9.993012540e-01, v1;
	v0 =	vadd.f32 $9.993012540e-01, v0  }
0x8c: {  	s12 =	sadd.s32 $0x1, s12;
	v59 =	vmax.f32 v16, $0.0e+00;
	v3 =	vadd.f32 v4, v3;
	v6 =	vmul.f32 v58, v41  }
0x8d: {  	p0 =	sne.s32 s12, $0x8;
	v4 =	vadd.f32 v57, v7;
	v1 =	vmul.f32 v1, v52;
	v0 =	vmul.f32 v0, v43  }
.Ltmp3:
0x8e: {  	vm14 =	veq.s32 v63, $0xF;
	v3 =	vnsel vm10, $0x0, v3;
	v6 =	vadd.f32 v6, v59;
	(pc) =	sbr.rel @!p0 .LBB2_7-.Ltmp3, $4  }
0x8f: {  	v4 =	vnsel vm11, $0x0, v4;
	v1 =	vadd.f32 v1, v61;
	v0 =	vadd.f32 v0, v60  }
0x90: {  	v46 =	vadd.f32 v26, v3;
	v62 =	vnsel vm12, $0x0, v6;
	v30 =	vadd.f32 v28, v4  }
0x91: {  	v25 =	vadd.f32 v25, v62;
	v1 =	vsel vm14, $0x0, v1;
	v0 =	vnsel vm13, $0x0, v0  }
0x92: {  	s11 =	sadd.s32 $0x2, s11;
	v43 =	vadd.f32 v5, v1;
	v18 =	vadd.f32 v2, v0  }
.LBB2_2:
0x93: {  	s13 =	sxor.u32 s1, s12  }
0x94: {  	s14 =	sshll.u32 s12, $0x1;
	s13 =	sand.u32 $0x1, s13  }
0x95: {  	s14 =	sor.u32 s14, s13  }
0x96: {  	s15 =	sshll.u32 s14, $0x4  }
0x97: {  	s15 =	sand.u32 $0x3FFFFFF0, s15  }
0x98: {  	v21 =	vld [tilespmem:s15+$0x0];
	_ =	sdelay $0x1  }
0x99: {  	v0 =	vimm.s32 $0x1  }
0x9a: {  	v50 =	vimm.s32 $0x2;
	v51 =	vimm.s32 $0x3;
	v52 =	vimm.s32 $0x4  }
0x9b: {  	v53 =	vimm.s32 $0x5;
	v54 =	vimm.s32 $0x6;
	v55 =	vimm.s32 $0x7  }
0x9c: {  	v56 =	vimm.s32 $0x8;
	v57 =	vimm.s32 $0x9;
	v39 =	vperm.xlane v21, v0  }
0x9d: {  	v58 =	vimm.s32 $0xA;
	v36 =	vperm.xlane v21, v50;
	v35 =	vperm.xlane v21, v51  }
0x9e: {  	v59 =	vimm.s32 $0xB;
	p0 =	seq.s32 s14, $0x0;
	v34 =	vperm.xlane v21, v52;
	v33 =	vperm.xlane v21, v53  }
.Ltmp4:
0x9f: {  	v60 =	vimm.s32 $0xC;
	v32 =	vperm.xlane v21, v54;
	v31 =	vperm.xlane v21, v55;
	(pc) =	sbr.rel @p0 .LBB2_6-.Ltmp4, $4  }
0xa0: {  	v61 =	vimm.s32 $0xD;
	v29 =	vperm.xlane v21, v56;
	v28 =	vperm.xlane v21, v57  }
0xa1: {  	v62 =	vimm.s32 $0xE;
	v26 =	vperm.xlane v21, v58;
	v24 =	vperm.xlane v21, v59  }
0xa2: {  	v63 =	vimm.s32 $0xF;
	v23 =	vperm.xlane v21, v60;
	v20 =	vperm.xlane v21, v61  }
0xa3: {  	v19 =	vperm.xlane v21, v62;
	v37 =	vperm.xlane v21, v63  }
0xa4: {  	s14 =	simm.s32 $0x0  }
0xa5: {  	v0 =	vld [tilespmem:s14+$0x0];
	_ =	sdelay $0x1  }
0xa6: {  	v1 =	vimm.s32 $0x0  }
0xa7: {  	v1 =	vperm.xlane v21, v1;
	_ =	sdelay $0x1  }
0xa8: {  	[tilespmem:$0x1FFE0] =	vst v1;
	v1 =	vsub.f32 v1, v0;
	v22 =	vsub.f32 v28, v0  }
0xa9: {  	v47 =	vsub.f32 v20, v0;
	v50 =	vsub.f32 v36, v0  }
0xaa: {  	v49 =	vsub.f32 v34, v0;
	v41 =	vsub.f32 v32, v0  }
0xab: {  	v52 =	vsub.f32 v19, v0;
	v51 =	vsub.f32 v26, v0  }
0xac: {  	v53 =	vsub.f32 v37, v0;
	v40 =	vsub.f32 v29, v0  }
0xad: {  	v59 =	vsub.f32 v31, v0;
	v61 =	vsub.f32 v35, v0  }
0xae: {  	v56 =	vsub.f32 v39, v0;
	v2 =	vsub.f32 v23, v0  }
0xaf: {  	v3 =	vsub.f32 v33, v0;
	v38 =	vand.u32 $0x7FFFFFFF, v47;
	v48 =	vand.u32 $0x7FFFFFFF, v1  }
0xb0: {  	v42 =	vand.u32 $0x7FFFFFFF, v41;
	v44 =	vand.u32 $0x7FFFFFFF, v52;
	v55 =	vand.u32 $0x7FFFFFFF, v50  }
0xb1: {  	v8 =	vand.u32 $0x7FFFFFFF, v49;
	v57 =	vand.u32 $0x7FFFFFFF, v59;
	v38 =	vsub.f32 $0.0e+00, v38  }
0xb2: {  	v10 =	vand.u32 $0x7FFFFFFF, v53;
	v62 =	vand.u32 $0x7FFFFFFF, v56;
	v63 =	vand.u32 $0x7FFFFFFF, v61  }
0xb3: {  	v12 =	vand.u32 $0x7FFFFFFF, v2;
	v58 =	vsub.f32 $0.0e+00, v8;
	v38 =	vmul.f32 $1.442695020e+00, v38  }
0xb4: {  	v4 =	vand.u32 $0x7FFFFFFF, v3;
	v5 =	vand.u32 $0x7FFFFFFF, v22;
	v42 =	vsub.f32 $0.0e+00, v42  }
0xb5: {  	v13 =	vand.u32 $0x7FFFFFFF, v40;
	v9 =	vmul.f32 $1.442695020e+00, v58;
	(erf) = vpow2.f32 v38  }
0xb6: {  	v54 =	vand.u32 $0x7FFFFFFF, v51;
	v44 =	vsub.f32 $0.0e+00, v44;
	v11 =	vmul.f32 $1.442695020e+00, v42  }
0xb7: {  	v62 =	vsub.f32 $0.0e+00, v62;
	v4 =	vsub.f32 $0.0e+00, v4;
	(erf) = vpow2.f32 v9  }
0xb8: {  	v5 =	vsub.f32 $0.0e+00, v5;
	v57 =	vsub.f32 $0.0e+00, v57;
	(erf) = vpow2.f32 v11  }
0xb9: {  	v60 =	vmul.f32 $1.442695020e+00, v44;
	v44 =	vmax.f32 v1, $0.0e+00;
	v1 =	vsub.f32 $0.0e+00, v55  }
0xba: {  	v61 =	vmax.f32 v61, $0.0e+00;
	v42 =	vsub.f32 v24, v0;
	v0 =	vsub.f32 $0.0e+00, v63  }
0xbb: {  	v58 =	vsub.f32 $0.0e+00, v10;
	v4 =	vmul.f32 $1.442695020e+00, v4;
	v62 =	vmul.f32 $1.442695020e+00, v62  }
0xbc: {  	v55 =	vsub.f32 $0.0e+00, v13;
	v14 =	vmul.f32 $1.442695020e+00, v5;
	v10 =	vmul.f32 $1.442695020e+00, v57  }
0xbd: {  	v38 =	vmax.f32 v51, $0.0e+00;
	v0 =	vmul.f32 $1.442695020e+00, v0;
	v1 =	vmul.f32 $1.442695020e+00, v1  }
0xbe: {  	v7 =	vand.u32 $0x7FFFFFFF, v42;
	v55 =	vmul.f32 $1.442695020e+00, v55;
	v6 =	vpop (erf);
	(erf) = vpow2.f32 v4  }
0xbf: {  	v7 =	vsub.f32 $0.0e+00, v7;
	v8 =	vmul.f32 $7.389876240e-02, v6;
	(erf) = vpow2.f32 v1  }
0xc0: {  	v11 =	vsub.f32 $0.0e+00, v12;
	v1 =	vsub.f32 $0.0e+00, v48;
	v63 =	vpop (erf);
	(erf) = vpow2.f32 v55  }
0xc1: {  	[tilespmem:$0x1FFF0] =	vst v37;
	v12 =	vmul.f32 $1.442695020e+00, v58;
	v57 =	vpop (erf);
	v37 =	vsub.f32 $2.518741790e-01, v8;
	(erf) = vpow2.f32 v14  }
0xc2: {  	v8 =	vsub.f32 $0.0e+00, v54;
	v1 =	vmul.f32 $1.442695020e+00, v1;
	v13 =	vmul.f32 $7.389876240e-02, v57  }
0xc3: {  	v48 =	vmax.f32 v3, $0.0e+00;
	(erf) = vpow2.f32 v62;
	v5 =	vmul.f32 v37, v6  }
0xc4: {  	v3 =	vmul.f32 $1.442695020e+00, v8;
	(erf) = vpow2.f32 v10;
	v4 =	vsub.f32 $2.518741790e-01, v13  }
0xc5: {  	v7 =	vmul.f32 $1.442695020e+00, v7;
	(erf) = vpow2.f32 v1;
	v5 =	vadd.f32 $-4.846351740e-01, v5  }
0xc6: {  	v51 =	vmax.f32 v50, $0.0e+00;
	(erf) = vpow2.f32 v3;
	v4 =	vmul.f32 v4, v57  }
0xc7: {  	v50 =	vmax.f32 v52, $0.0e+00;
	(erf) = vpow2.f32 v12;
	v1 =	vmul.f32 v5, v6  }
0xc8: {  	v9 =	vmax.f32 v59, $0.0e+00;
	v58 =	vpop (erf);
	(erf) = vpow2.f32 v0;
	v0 =	vmul.f32 $7.389876240e-02, v63  }
0xc9: {  	v54 =	vmax.f32 v53, $0.0e+00;
	v37 =	vmul.f32 $1.442695020e+00, v11;
	v1 =	vadd.f32 $9.993012540e-01, v1  }
0xca: {  	v4 =	vadd.f32 $-4.846351740e-01, v4;
	v53 =	vpop (erf);
	v13 =	vmul.f32 $7.389876240e-02, v58;
	v0 =	vsub.f32 $2.518741790e-01, v0  }
0xcb: {  	v14 =	vmax.f32 v47, $0.0e+00;
	v12 =	vmul.f32 $7.389876240e-02, v53;
	v1 =	vmul.f32 v1, v6  }
0xcc: {  	v3 =	vmax.f32 v49, $0.0e+00;
	v4 =	vmul.f32 v4, v57;
	v0 =	vmul.f32 v0, v63  }
0xcd: {  	(erf) = vpow2.f32 v37;
	v49 =	vpop (erf);
	v62 =	vsub.f32 $2.518741790e-01, v13;
	v55 =	vsub.f32 $2.518741790e-01, v12  }
0xce: {  	v6 =	vpop (erf);
	v12 =	vmul.f32 $7.389876240e-02, v49;
	v4 =	vadd.f32 $9.993012540e-01, v4;
	v0 =	vadd.f32 $-4.846351740e-01, v0  }
0xcf: {  	v62 =	vmul.f32 v62, v58;
	v47 =	vadd.f32 v1, v14;
	v15 =	vmul.f32 v55, v53;
	v1 =	vpop (erf)  }
0xd0: {  	v12 =	vsub.f32 $2.518741790e-01, v12;
	v57 =	vmul.f32 v4, v57;
	v0 =	vmul.f32 v0, v63;
	v59 =	vpop (erf)  }
0xd1: {  	v8 =	vmax.f32 v2, $0.0e+00;
	(erf) = vpow2.f32 v60;
	v14 =	vmul.f32 $7.389876240e-02, v1;
	v11 =	vpop (erf)  }
0xd2: {  	v12 =	vmul.f32 v12, v49;
	v10 =	vmul.f32 $7.389876240e-02, v59;
	v0 =	vadd.f32 $9.993012540e-01, v0;
	v52 =	vpop (erf)  }
0xd3: {  	v5 =	vsub.f32 $2.518741790e-01, v14;
	v37 =	vmul.f32 $7.389876240e-02, v11;
	v13 =	vmul.f32 $7.389876240e-02, v52  }
0xd4: {  	v62 =	vadd.f32 $-4.846351740e-01, v62;
	v60 =	vpop (erf);
	v0 =	vmul.f32 v0, v63;
	v63 =	vmul.f32 $7.389876240e-02, v6  }
0xd5: {  	[tilespmem:$0x1FFD0] =	vst v21;
	v21 =	vmovc v43;
	v10 =	vsub.f32 $2.518741790e-01, v10;
	v14 =	vmul.f32 $7.389876240e-02, v60;
	v5 =	vmul.f32 v5, v1  }
0xd6: {  	v16 =	vpop (erf);
	v55 =	vsub.f32 $2.518741790e-01, v37;
	(erf) = vpow2.f32 v7;
	v0 =	vadd.f32 v0, v3  }
0xd7: {  	v43 =	vpop (erf);
	v10 =	vmul.f32 v10, v59;
	v13 =	vsub.f32 $2.518741790e-01, v13;
	v63 =	vsub.f32 $2.518741790e-01, v63  }
0xd8: {  	v5 =	vadd.f32 $-4.846351740e-01, v5;
	v14 =	vsub.f32 $2.518741790e-01, v14;
	v37 =	vmul.f32 $7.389876240e-02, v43  }
0xd9: {  	v55 =	vmul.f32 v55, v11;
	v10 =	vadd.f32 $-4.846351740e-01, v10;
	v63 =	vmul.f32 v63, v6  }
0xda: {  	v14 =	vmul.f32 v14, v60;
	v3 =	vsub.f32 $2.518741790e-01, v37;
	v37 =	vmul.f32 $7.389876240e-02, v16  }
0xdb: {  	v30 =	vadd.f32 v0, v30;
	v5 =	vmul.f32 v5, v1;
	v0 =	vmul.f32 v10, v59  }
0xdc: {  	v10 =	vadd.f32 $-4.846351740e-01, v55;
	v14 =	vadd.f32 $-4.846351740e-01, v14;
	v3 =	vmul.f32 v3, v43  }
0xdd: {  	v55 =	vpop (erf);
	v5 =	vadd.f32 $9.993012540e-01, v5;
	v7 =	vsub.f32 $2.518741790e-01, v37;
	v37 =	vmax.f32 v56, $0.0e+00  }
0xde: {  	v0 =	vadd.f32 $9.993012540e-01, v0;
	v2 =	vmul.f32 $7.389876240e-02, v55;
	v10 =	vmul.f32 v10, v11  }
0xdf: {  	v1 =	vmul.f32 v5, v1;
	v5 =	vmul.f32 v7, v16;
	v3 =	vadd.f32 $-4.846351740e-01, v3  }
0xe0: {  	v14 =	vmul.f32 v14, v60;
	v2 =	vsub.f32 $2.518741790e-01, v2;
	v7 =	vadd.f32 $9.993012540e-01, v10  }
0xe1: {  	v0 =	vmul.f32 v0, v59;
	v1 =	vadd.f32 v1, v37;
	v5 =	vadd.f32 $-4.846351740e-01, v5  }
0xe2: {  	v14 =	vadd.f32 $9.993012540e-01, v14;
	v3 =	vmul.f32 v3, v43;
	v2 =	vmul.f32 v2, v55  }
0xe3: {  	v0 =	vadd.f32 v0, v9;
	v59 =	vadd.f32 v1, v45;
	v1 =	vmul.f32 v5, v16  }
0xe4: {  	v37 =	vmul.f32 v14, v60;
	v60 =	vadd.f32 $-4.846351740e-01, v63;
	v3 =	vadd.f32 $9.993012540e-01, v3  }
0xe5: {  	v5 =	vmul.f32 v62, v58;
	v63 =	vadd.f32 $-4.846351740e-01, v15;
	v1 =	vadd.f32 $9.993012540e-01, v1  }
0xe6: {  	v2 =	vadd.f32 $-4.846351740e-01, v2;
	v14 =	vmul.f32 v60, v6;
	v60 =	vadd.f32 v37, v54  }
0xe7: {  	s13 =	sadd.s32 s13, s11;
	v56 =	vpop (erf);
	v3 =	vmul.f32 v3, v43;
	v43 =	vadd.f32 v0, v21;
	v1 =	vmul.f32 v1, v16  }
0xe8: {  	p0 =	sne.s32 s13, $0x1;
	v45 =	vmul.f32 $7.389876240e-02, v56;
	v5 =	vadd.f32 $9.993012540e-01, v5;
	v14 =	vadd.f32 $9.993012540e-01, v14  }
.Ltmp5:
0xe9: {  	v54 =	vmax.f32 v22, $0.0e+00;
	v37 =	vadd.f32 v1, v61;
	v1 =	vadd.f32 v3, v8;
	(pc) =	sbr.rel @!p0 .LBB2_5-.Ltmp5, $4  }
0xea: {  	v0 =	vsub.f32 $2.518741790e-01, v45;
	v58 =	vmul.f32 v5, v58;
	v3 =	vmul.f32 v63, v53  }
0xeb: {  	v6 =	vmul.f32 v14, v6;
	v61 =	vmul.f32 v13, v52;
	v30 =	vadd.f32 v30, v1  }
0xec: {  	v63 =	vmul.f32 v7, v11;
	v62 =	vadd.f32 $9.993012540e-01, v3;
	v1 =	vadd.f32 $-4.846351740e-01, v12  }
0xed: {  	s13 =	sadd.s32 $0xFFFFFFFF, s13;
	s14 =	simm.s32 $0x10;
	v45 =	vadd.f32 v6, v54;
	v54 =	vadd.f32 v37, v46;
	v46 =	vmul.f32 v2, v55  }
.LBB2_4:
0xee: {  	v3 =	vadd.f32 v63, v44  }
0xef: {  	v1 =	vmul.f32 v1, v49;
	v43 =	vadd.f32 v43, v60;
	v5 =	vadd.f32 v58, v48  }
0xf0: {  	v6 =	vadd.f32 $9.993012540e-01, v46;
	v46 =	vadd.f32 v59, v45;
	v8 =	vmax.f32 v41, $0.0e+00  }
0xf1: {  	v2 =	vld [tilespmem:s14+$0x0];
	v4 =	vmul.f32 v62, v53;
	v7 =	vadd.f32 $-4.846351740e-01, v61;
	v8 =	vadd.f32 v57, v8  }
0xf2: {  	v0 =	vmul.f32 v0, v56;
	v9 =	vld [tilespmem:$0x1FFE0];
	v3 =	vadd.f32 v3, v17;
	v5 =	vadd.f32 v5, v25  }
0xf3: {  	v1 =	vadd.f32 $9.993012540e-01, v1;
	v4 =	vadd.f32 v4, v51  }
0xf4: {  	v6 =	vmul.f32 v6, v55;
	v7 =	vmul.f32 v7, v52;
	v0 =	vadd.f32 $-4.846351740e-01, v0  }
0xf5: {  	v8 =	vadd.f32 v8, v18;
	v4 =	vadd.f32 v4, v27  }
0xf6: {  	v14 =	vld [tilespmem:$0x1FFF0];
	v7 =	vadd.f32 $9.993012540e-01, v7;
	v6 =	vadd.f32 v6, v50  }
0xf7: {  	v25 =	vadd.f32 v5, v47;
	v9 =	vsub.f32 v9, v2  }
0xf8: {  	v45 =	vsub.f32 v28, v2;
	v55 =	vsub.f32 v36, v2  }
0xf9: {  	v1 =	vmul.f32 v1, v49;
	v49 =	vsub.f32 v34, v2;
	v41 =	vsub.f32 v32, v2  }
0xfa: {  	v12 =	vsub.f32 v26, v2;
	v13 =	vsub.f32 v20, v2  }
0xfb: {  	v15 =	vmax.f32 v40, $0.0e+00;
	v14 =	vsub.f32 v14, v2;
	v59 =	vsub.f32 v19, v2  }
0xfc: {  	v0 =	vmul.f32 v0, v56;
	v40 =	vsub.f32 v29, v2;
	v50 =	vsub.f32 v31, v2  }
0xfd: {  	v47 =	vsub.f32 v35, v2;
	v51 =	vsub.f32 v23, v2  }
0xfe: {  	v1 =	vadd.f32 v1, v15;
	v0 =	vadd.f32 $9.993012540e-01, v0  }
0xff: {  	v7 =	vmul.f32 v7, v52;
	v52 =	vsub.f32 v33, v2;
	v18 =	vadd.f32 v8, v6  }
0x100: {  	v10 =	vand.u32 $0x7FFFFFFF, v9;
	v11 =	vand.u32 $0x7FFFFFFF, v55;
	v16 =	vand.u32 $0x7FFFFFFF, v13  }
0x101: {  	v15 =	vand.u32 $0x7FFFFFFF, v41;
	v17 =	vand.u32 $0x7FFFFFFF, v59;
	v63 =	vand.u32 $0x7FFFFFFF, v50  }
0x102: {  	v44 =	vmax.f32 v9, $0.0e+00;
	v58 =	vand.u32 $0x7FFFFFFF, v51;
	v16 =	vsub.f32 $0.0e+00, v16  }
0x103: {  	v60 =	vand.u32 $0x7FFFFFFF, v40;
	v17 =	vsub.f32 $0.0e+00, v17;
	v5 =	vsub.f32 $0.0e+00, v15  }
0x104: {  	v15 =	vmax.f32 v42, $0.0e+00;
	v0 =	vmul.f32 v0, v56;
	v7 =	vadd.f32 v7, v38  }
0x105: {  	v38 =	vmax.f32 v12, $0.0e+00;
	v56 =	vsub.f32 v39, v2;
	v16 =	vmul.f32 $1.442695020e+00, v16  }
0x106: {  	v37 =	vsub.f32 $0.0e+00, v11;
	v12 =	vand.u32 $0x7FFFFFFF, v12;
	v48 =	vmax.f32 v52, $0.0e+00  }
0x107: {  	v61 =	vmul.f32 $1.442695020e+00, v17;
	(erf) = vpow2.f32 v16;
	v16 =	vand.u32 $0x7FFFFFFF, v49  }
0x108: {  	v0 =	vadd.f32 v0, v15;
	v15 =	vand.u32 $0x7FFFFFFF, v14;
	v16 =	vsub.f32 $0.0e+00, v16  }
0x109: {  	v57 =	vmul.f32 $1.442695020e+00, v5;
	v27 =	vadd.f32 v4, v7;
	v17 =	vadd.f32 v3, v1  }
0x10a: {  	v1 =	vand.u32 $0x7FFFFFFF, v52;
	v3 =	vand.u32 $0x7FFFFFFF, v45;
	v42 =	vmul.f32 $1.442695020e+00, v16  }
0x10b: {  	v7 =	vsub.f32 $0.0e+00, v60;
	v9 =	vmul.f32 $1.442695020e+00, v37;
	v37 =	vsub.f32 $0.0e+00, v12  }
0x10c: {  	v4 =	vsub.f32 $0.0e+00, v58;
	v1 =	vsub.f32 $0.0e+00, v1;
	(erf) = vpow2.f32 v42  }
0x10d: {  	v60 =	vmax.f32 v14, $0.0e+00;
	v62 =	vsub.f32 $0.0e+00, v15;
	v3 =	vsub.f32 $0.0e+00, v3  }
0x10e: {  	v12 =	vmax.f32 v13, $0.0e+00;
	v15 =	vsub.f32 $0.0e+00, v63;
	v54 =	vadd.f32 v54, v0  }
0x10f: {  	v0 =	vand.u32 $0x7FFFFFFF, v56;
	v7 =	vmul.f32 $1.442695020e+00, v7;
	(erf) = vpow2.f32 v57  }
0x110: {  	v0 =	vsub.f32 $0.0e+00, v0;
	v1 =	vmul.f32 $1.442695020e+00, v1;
	v16 =	vand.u32 $0x7FFFFFFF, v47  }
0x111: {  	v53 =	vmul.f32 $1.442695020e+00, v62;
	v42 =	vsub.f32 v24, v2;
	v2 =	vsub.f32 $0.0e+00, v16;
	v5 =	vpop (erf)  }
0x112: {  	v63 =	vsub.f32 $0.0e+00, v10;
	(erf) = vpow2.f32 v1;
	v16 =	vmul.f32 $7.389876240e-02, v5  }
0x113: {  	v0 =	vmul.f32 $1.442695020e+00, v0;
	v2 =	vmul.f32 $1.442695020e+00, v2;
	v6 =	vand.u32 $0x7FFFFFFF, v42  }
0x114: {  	v1 =	vmul.f32 $1.442695020e+00, v3;
	(erf) = vpow2.f32 v9;
	v3 =	vsub.f32 $2.518741790e-01, v16  }
0x115: {  	v6 =	vsub.f32 $0.0e+00, v6;
	v9 =	vmul.f32 $1.442695020e+00, v63;
	v8 =	vpop (erf);
	(erf) = vpow2.f32 v7  }
0x116: {  	v10 =	vmax.f32 v50, $0.0e+00;
	v3 =	vmul.f32 v3, v5;
	(erf) = vpow2.f32 v1  }
0x117: {  	v50 =	vmax.f32 v59, $0.0e+00;
	v6 =	vmul.f32 $1.442695020e+00, v6;
	v1 =	vmul.f32 $1.442695020e+00, v15  }
0x118: {  	v57 =	vpop (erf);
	v3 =	vadd.f32 $-4.846351740e-01, v3;
	(erf) = vpow2.f32 v0;
	v0 =	vmul.f32 $1.442695020e+00, v37  }
0x119: {  	v62 =	vmax.f32 v51, $0.0e+00;
	(erf) = vpow2.f32 v1;
	v1 =	vmul.f32 $7.389876240e-02, v57  }
0x11a: {  	v51 =	vmax.f32 v55, $0.0e+00;
	(erf) = vpow2.f32 v9;
	v3 =	vmul.f32 v3, v5  }
0x11b: {  	v58 =	vpop (erf);
	(erf) = vpow2.f32 v0;
	v13 =	vsub.f32 $2.518741790e-01, v1;
	v1 =	vmul.f32 $1.442695020e+00, v4  }
0x11c: {  	v37 =	vmul.f32 $7.389876240e-02, v58;
	(erf) = vpow2.f32 v53;
	v3 =	vadd.f32 $9.993012540e-01, v3  }
0x11d: {  	v63 =	vmax.f32 v47, $0.0e+00;
	v53 =	vpop (erf);
	(erf) = vpow2.f32 v2;
	v2 =	vmul.f32 $7.389876240e-02, v8  }
0x11e: {  	v9 =	vmax.f32 v49, $0.0e+00;
	v4 =	vmul.f32 v13, v57;
	v14 =	vmul.f32 v3, v5;
	v49 =	vpop (erf)  }
0x11f: {  	v5 =	vsub.f32 $2.518741790e-01, v37;
	v2 =	vsub.f32 $2.518741790e-01, v2;
	v0 =	vpop (erf);
	(erf) = vpow2.f32 v1  }
0x120: {  	v4 =	vadd.f32 $-4.846351740e-01, v4;
	v1 =	vmul.f32 $7.389876240e-02, v53;
	v59 =	vmul.f32 $7.389876240e-02, v49  }
0x121: {  	v47 =	vadd.f32 v14, v12;
	v5 =	vmul.f32 v5, v58;
	v3 =	vpop (erf);
	v2 =	vmul.f32 v2, v8  }
0x122: {  	v4 =	vmul.f32 v4, v57;
	v55 =	vmul.f32 $7.389876240e-02, v3;
	v11 =	vpop (erf);
	v1 =	vsub.f32 $2.518741790e-01, v1  }
0x123: {  	v14 =	vsub.f32 $2.518741790e-01, v59;
	v5 =	vadd.f32 $-4.846351740e-01, v5;
	v37 =	vmul.f32 $7.389876240e-02, v11;
	v13 =	vpop (erf)  }
0x124: {  	v2 =	vadd.f32 $-4.846351740e-01, v2;
	v52 =	vpop (erf);
	(erf) = vpow2.f32 v61;
	v1 =	vmul.f32 v1, v53  }
0x125: {  	v4 =	vadd.f32 $9.993012540e-01, v4;
	v5 =	vmul.f32 v5, v58;
	v14 =	vmul.f32 v14, v49  }
0x126: {  	v22 =	vmovc v39;
	v39 =	vmovc v36;
	v7 =	vsub.f32 $2.518741790e-01, v55;
	v15 =	vmul.f32 $7.389876240e-02, v52;
	v2 =	vmul.f32 v2, v8  }
0x127: {  	v16 =	vpop (erf);
	v12 =	vsub.f32 $2.518741790e-01, v37;
	v37 =	vmul.f32 $7.389876240e-02, v13;
	v57 =	vmul.f32 v4, v57  }
0x128: {  	v36 =	vmovc v34;
	v34 =	vmovc v32;
	v55 =	vmul.f32 $7.389876240e-02, v16;
	v7 =	vmul.f32 v7, v3;
	v1 =	vadd.f32 $-4.846351740e-01, v1  }
0x129: {  	v32 =	vmovc v29;
	v29 =	vmovc v26;
	v5 =	vadd.f32 $9.993012540e-01, v5;
	v2 =	vadd.f32 $9.993012540e-01, v2;
	v12 =	vmul.f32 v12, v11  }
0x12a: {  	v26 =	vmovc v23;
	v23 =	vmovc v19;
	v59 =	vsub.f32 $2.518741790e-01, v37;
	v15 =	vsub.f32 $2.518741790e-01, v15;
	v1 =	vmul.f32 v1, v53  }
0x12b: {  	v61 =	vpop (erf);
	v7 =	vadd.f32 $-4.846351740e-01, v7;
	v58 =	vmul.f32 v5, v58;
	v2 =	vmul.f32 v2, v8  }
0x12c: {  	v55 =	vsub.f32 $2.518741790e-01, v55;
	v19 =	vpop (erf);
	v59 =	vmul.f32 v59, v13;
	(erf) = vpow2.f32 v6  }
0x12d: {  	v12 =	vadd.f32 $-4.846351740e-01, v12;
	v6 =	vmul.f32 $7.389876240e-02, v61;
	v37 =	vmul.f32 $7.389876240e-02, v19  }
0x12e: {  	v21 =	vmul.f32 v55, v16;
	v7 =	vmul.f32 v7, v3;
	v2 =	vadd.f32 v2, v9  }
0x12f: {  	v9 =	vmul.f32 $7.389876240e-02, v0;
	v6 =	vsub.f32 $2.518741790e-01, v6;
	v8 =	vsub.f32 $2.518741790e-01, v37  }
0x130: {  	v12 =	vmul.f32 v12, v11;
	v7 =	vadd.f32 $9.993012540e-01, v7;
	v55 =	vpop (erf);
	v2 =	vadd.f32 v2, v30  }
0x131: {  	v9 =	vsub.f32 $2.518741790e-01, v9;
	v6 =	vmul.f32 v6, v61;
	v37 =	vmovc v35;
	v35 =	vmovc v33;
	v33 =	vmov v31  }
0x132: {  	v31 =	vmovc v28;
	v28 =	vmovc v24;
	v24 =	vmov v20;
	v20 =	vadd.f32 $-4.846351740e-01, v21;
	v8 =	vmul.f32 v8, v19  }
0x133: {  	v12 =	vadd.f32 $9.993012540e-01, v12;
	v21 =	vmul.f32 $7.389876240e-02, v55;
	v3 =	vmul.f32 v7, v3  }
0x134: {  	v30 =	vadd.f32 $-4.846351740e-01, v59;
	v9 =	vmul.f32 v9, v0;
	v59 =	vmul.f32 v20, v16  }
0x135: {  	v11 =	vmul.f32 v12, v11;
	v6 =	vadd.f32 $-4.846351740e-01, v6;
	v7 =	vadd.f32 $-4.846351740e-01, v8  }
0x136: {  	v9 =	vadd.f32 $-4.846351740e-01, v9;
	v12 =	vadd.f32 $9.993012540e-01, v59;
	v20 =	vmovc v24;
	v24 =	vmovc v28;
	v28 =	vmov v31  }
0x137: {  	v31 =	vmovc v33;
	v33 =	vmovc v35;
	v35 =	vmov v37;
	v59 =	vmax.f32 v56, $0.0e+00;
	v7 =	vmul.f32 v7, v19  }
0x138: {  	v56 =	vpop (erf);
	v3 =	vadd.f32 v3, v59;
	v9 =	vmul.f32 v9, v0;
	v37 =	vmul.f32 v12, v16  }
0x139: {  	v12 =	vmul.f32 v30, v13;
	v7 =	vadd.f32 $9.993012540e-01, v7;
	v16 =	vmul.f32 $7.389876240e-02, v56  }
0x13a: {  	v59 =	vadd.f32 v3, v46;
	v3 =	vmul.f32 v6, v61;
	v46 =	vsub.f32 $2.518741790e-01, v21  }
0x13b: {  	v9 =	vadd.f32 $9.993012540e-01, v9;
	v60 =	vadd.f32 v37, v60;
	v7 =	vmul.f32 v7, v19  }
0x13c: {  	v37 =	vadd.f32 $9.993012540e-01, v12;
	v3 =	vadd.f32 $9.993012540e-01, v3;
	v6 =	vmul.f32 v46, v55  }
0x13d: {  	p0 =	sne.s32 s13, $0x1;
	v9 =	vmul.f32 v9, v0;
	v0 =	vsub.f32 $2.518741790e-01, v16;
	v7 =	vadd.f32 v7, v62  }
.Ltmp6:
0x13e: {  	v19 =	vmovc v23;
	v62 =	vadd.f32 $9.993012540e-01, v1;
	v1 =	vadd.f32 $-4.846351740e-01, v14;
	v3 =	vmul.f32 v3, v61;
	(pc) =	sbr.rel @p0 .LBB2_4-.Ltmp6, $4  }
0x13f: {  	v23 =	vmovc v26;
	v26 =	vmovc v29;
	v29 =	vmov v32;
	v61 =	vadd.f32 v11, v10;
	v30 =	vadd.f32 v2, v7  }
0x140: {  	v32 =	vmovc v34;
	v34 =	vmovc v36;
	v46 =	vmax.f32 v45, $0.0e+00;
	v2 =	vadd.f32 $-4.846351740e-01, v6;
	v3 =	vadd.f32 v3, v63  }
0x141: {  	v36 =	vmovc v39;
	v45 =	vadd.f32 v9, v46;
	v43 =	vadd.f32 v61, v43;
	v61 =	vmul.f32 v15, v52  }
0x142: {  	s13 =	sadd.s32 $0xFFFFFFFF, s13;
	s14 =	sadd.s32 $0x10, s14;
	v39 =	vmovc v22;
	v63 =	vmul.f32 v37, v13;
	v46 =	vmul.f32 v2, v55;
	v54 =	vadd.f32 v3, v54  }
.Ltmp7:
0x143: {  	_ = 	snop;
	(pc) =	sbr.rel .LBB2_5-.Ltmp7, $1  }
0x144: {  	_ =	sdelay $0x3  }
.LBB2_8:
0x145: {  	_ =	sfence.sel $0x180000  }
0x146: {  	[bflag:$0x0] =	sbarrier.arrive $0xFFFF  }
0x147: {  	p0 =	sne.s32 s0, $0x0;
	_ =	strace $0x90000047  }
0x148: {  	s0 =	sadd.s32 @!p0 $0x100000, s2;
	[bflag:$0x2] =	sbarrier.arrive $0xFFFF  }
0x149: {  	[sflag:s0] =	ssyncadd.tile.s32 @!p0 $0x1;
	_ =	shalt  }
.Lfunc_end2:
_tile_overlayer_lowered:
.L_overlay_start_2:
0x14a: {  	(tag) =	ssettag $0x2  }
0x14b: {  	s0 =	rddreg [dreg:$0x0];
	s2 =	stileid.u32  }
0x14c: {  	s1 =	rddreg [dreg:$0x1];
	p0 =	sne.s32 s2, $0x0  }
0x14d: {  	s3 =	rddreg [dreg:$0x2];
	[bflag:$0x3] =	sbarrier.arrive $0xFFFF;
	s2 =	simm.s32 @!p0 $0x1C01  }
0x14e: {  	[timem:s3], [sflag:s2] =	dma.local @!p0 [hbm:s0], s1  }
0x14f: {  	s0 =	simm.s32 @!p0 $0x1  }
0x150: {  	_ =	swait.ge @!p0 [sflag:s0], s1  }
0x151: {  	s1 =	ssub.s32 @!p0 $0x0, s1;
	[sflag:s0] =	ssyncset.done @!p0 $0x0  }
0x152: {  	[sflag:s0] =	ssyncadd.s32 @!p0 s1  }
0x153: {  	[bflag:$0x3] =	sbarrier.arrive $0xFFFF  }
0x154: {  	_ =	shalt  }

</sc_bundles>
